<compile_context>
chip_gen: v7x
topology: tpu7x:2x2x1
jax: 0.10.2.dev20260603
libtpu: 0.0.44.dev20260713+nightly
codegen_flags: <defaults>
</compile_context>

<pallas_src>
import functools

import jax
import jax.numpy as jnp
from jax import lax
from jax.experimental import pallas as pl
from jax.experimental.pallas import tpu as pltpu
from jax.experimental.pallas import tpu_sc as plsc

N = 100000
F = 128
C = 1000
B = 1024
TEMP = 0.05

NC = 2
NS = 16
NW = NC * NS

BLK = 128
NFULL = N // BLK
TAIL = N - NFULL * BLK
TAIL_OFF = NFULL * BLK
NB_LO = NFULL // NW
NB_EXTRA = NFULL - NB_LO * NW
ZROWS = 64
ZLAST = C - 15 * ZROWS
BT = B // NW

@functools.cache
def _sc_segment_fn():
    mesh = plsc.VectorSubcoreMesh(
        core_axis_name="c", subcore_axis_name="s", num_cores=NC, num_subcores=NS
    )
    return functools.partial(
        pl.kernel,
        out_type=(
            jax.ShapeDtypeStruct((NC, C, F), jnp.float32),
            jax.ShapeDtypeStruct((NC, C, F), jnp.float32),
            jax.ShapeDtypeStruct((B,), jnp.int32),
        ),
        mesh=mesh,
        scratch_types=(
            pltpu.VMEM((BLK,), jnp.int32),
            pltpu.VMEM((BLK,), jnp.int32),
            pltpu.VMEM((BLK, F), jnp.float32),
            pltpu.VMEM((BLK, F), jnp.float32),
            pltpu.VMEM((BLK, F), jnp.float32),
            pltpu.VMEM((ZROWS, F), jnp.float32),
            pltpu.VMEM((TAIL,), jnp.int32),
            pltpu.VMEM((TAIL, F), jnp.float32),
            pltpu.VMEM((BT,), jnp.int32),
            pltpu.VMEM((BT,), jnp.int32),
            pltpu.VMEM_SHARED((C, F), jnp.float32),
            pltpu.VMEM_SHARED((C, F), jnp.float32),
            pltpu.SemaphoreType.DMA,
            pltpu.SemaphoreType.DMA,
            pltpu.SemaphoreType.DMA,
        ),
    )(_sc_body)


def _sc_body(feat_hbm, lab_hbm, idx_hbm, sums_out, cnts_out, tgt_out,
             lblA, lblB, rowsA, rowsB, ones_v, zrow_v, ltail_v, rtail_v,
             idx_v, tgt_v, acc_sh, cnt_sh, semA, semB, sem):
    cid = lax.axis_index("c")
    sid = lax.axis_index("s")
    wid = sid * NC + cid

    def _fill_ones(i, carry):
        for cchunk in range(F // 16):
            ones_v[i, pl.ds(cchunk * 16, 16)] = jnp.ones((16,), jnp.float32)
        return carry

    lax.fori_loop(0, BLK, _fill_ones, 0)

    def _fill_zero(i, carry):
        for cchunk in range(F // 16):
            zrow_v[i, pl.ds(cchunk * 16, 16)] = jnp.zeros((16,), jnp.float32)
        return carry

    lax.fori_loop(0, ZROWS, _fill_zero, 0)

    nb = jnp.where(wid < NB_EXTRA, NB_LO + 1, NB_LO)
    slot_refs = ((lblA, rowsA, semA), (lblB, rowsB, semB))

    def _issue(k, slot):
        lbl_v, rows_v, sem_s = slot_refs[slot]
        off = pl.multiple_of((wid + NW * k) * BLK, BLK)
        pltpu.async_copy(lab_hbm.at[pl.ds(off, BLK)], lbl_v, sem_s)
        pltpu.async_copy(feat_hbm.at[pl.ds(off, BLK), :], rows_v, sem_s)

    _issue(0, 0)
    _issue(1, 1)

    tbase = pl.multiple_of(wid * BT, BT)
    pltpu.sync_copy(idx_hbm.at[pl.ds(tbase, BT)], idx_v)
    pltpu.async_copy(lab_hbm.at[idx_v], tgt_v, sem).wait()
    pltpu.sync_copy(tgt_v, tgt_out.at[pl.ds(tbase, BT)])

    zoff = sid * ZROWS

    @pl.when(sid < NS - 1)
    def _zero_main():
        pltpu.sync_copy(zrow_v, acc_sh.at[pl.ds(zoff, ZROWS)])
        pltpu.sync_copy(zrow_v, cnt_sh.at[pl.ds(zoff, ZROWS)])

    @pl.when(sid == NS - 1)
    def _zero_last():
        pltpu.sync_copy(zrow_v.at[pl.ds(0, ZLAST)], acc_sh.at[pl.ds(15 * ZROWS, ZLAST)])
        pltpu.sync_copy(zrow_v.at[pl.ds(0, ZLAST)], cnt_sh.at[pl.ds(15 * ZROWS, ZLAST)])

    plsc.subcore_barrier()

    def _pair(j, carry):
        for slot in range(2):
            k = 2 * j + slot
            lbl_v, rows_v, sem_s = slot_refs[slot]

            @pl.when(k < nb)
            def _do():
                off = pl.multiple_of((wid + NW * k) * BLK, BLK)
                pltpu.make_async_copy(lab_hbm.at[pl.ds(off, BLK)], lbl_v,
                                      sem_s).wait()
                pltpu.make_async_copy(feat_hbm.at[pl.ds(off, BLK), :],
                                      rows_v, sem_s).wait()
                pltpu.sync_copy(rows_v, acc_sh.at[lbl_v], add=True)
                pltpu.sync_copy(ones_v, cnt_sh.at[lbl_v], add=True)

                @pl.when(k + 2 < nb)
                def _next():
                    _issue(k + 2, slot)

        return carry

    lax.fori_loop(0, (NB_LO + 2) // 2, _pair, 0)

    @pl.when(wid == NW - 1)
    def _tail():
        pltpu.sync_copy(lab_hbm.at[pl.ds(TAIL_OFF, TAIL)], ltail_v)
        pltpu.sync_copy(feat_hbm.at[pl.ds(TAIL_OFF, TAIL), :], rtail_v)
        pltpu.sync_copy(rtail_v, acc_sh.at[ltail_v], add=True)
        pltpu.sync_copy(ones_v.at[pl.ds(0, TAIL)], cnt_sh.at[ltail_v], add=True)

    plsc.subcore_barrier()

    @pl.when(sid < NS - 1)
    def _dump_main():
        pltpu.sync_copy(acc_sh.at[pl.ds(zoff, ZROWS)], sums_out.at[cid, pl.ds(zoff, ZROWS), :])
        pltpu.sync_copy(cnt_sh.at[pl.ds(zoff, ZROWS)], cnts_out.at[cid, pl.ds(zoff, ZROWS), :])

    @pl.when(sid == NS - 1)
    def _dump_last():
        pltpu.sync_copy(acc_sh.at[pl.ds(15 * ZROWS, ZLAST)],
                        sums_out.at[cid, pl.ds(15 * ZROWS, ZLAST), :])
        pltpu.sync_copy(cnt_sh.at[pl.ds(15 * ZROWS, ZLAST)],
                        cnts_out.at[cid, pl.ds(15 * ZROWS, ZLAST), :])


def _tc_body(x_ref, sums_ref, cnts_ref, tgt_ref, out_ref):
    x = x_ref[...]
    nrm = jnp.sqrt(jnp.sum(x * x, axis=1, keepdims=True))
    x = x / jnp.maximum(nrm, 1e-12)
    cs = sums_ref[0] + sums_ref[1]
    cnt16 = cnts_ref[0] + cnts_ref[1]
    cnt = jnp.max(cnt16, axis=1, keepdims=True)
    csd = cs / (jnp.maximum(cnt, 1.0) * TEMP)
    scores = lax.dot_general(x, csd, (((1,), (1,)), ((), ())),
                             preferred_element_type=jnp.float32)
    exps = jnp.exp(scores)
    rowsum = jnp.sum(exps, axis=1, keepdims=True)
    nmask = jnp.sum(jnp.where(cnt == 0.0, 1.0, 0.0))
    msum = rowsum - nmask + 1e-6
    tgt = tgt_ref[...]
    onehot = lax.broadcasted_iota(jnp.int32, (B, C), 1) == tgt
    s_t = jnp.sum(jnp.where(onehot, scores, 0.0), axis=1, keepdims=True)
    picked = jnp.log(jnp.exp(s_t) / msum + 1e-6)
    out_ref[0, 0] = -jnp.sum(picked) / jnp.float32(B)


_tc_loss = pl.pallas_call(
    _tc_body,
    out_shape=jax.ShapeDtypeStruct((1, 1), jnp.float32),
    out_specs=pl.BlockSpec(memory_space=pltpu.MemorySpace.SMEM),
)


def kernel(inputs, indexes, features, labels):
    sums, cnts, tgt = _sc_segment_fn()(features, labels, indexes)
    out = _tc_loss(inputs, sums, cnts, tgt.reshape(B, 1))
    return out[0, 0]

# --- scband reference (transcript-rebuilt; emitter-appended) ---
"""Pipeline reference for scband-hybrid-memory-17806934409433 (READ-ONLY COPY).

The authoritative reference and input builder live on the scoring server;
editing this copy changes nothing except your own understanding.
"""

import jax, jax.numpy as jnp
import numpy as np

NUM_SAMPLES = 100000
NUM_FEATURES = 128
NUM_CLASSES = 1000
BATCH = 1024
TEMP = 0.05


def setup_inputs(seed: int = 0) -> dict:
    key = jax.random.key(seed)
    k1, k2, k3, k4 = jax.random.split(key, 4)
    inputs = jax.random.normal(k1, (BATCH, NUM_FEATURES), dtype=jnp.float32)
    indexes = jax.random.randint(k2, (BATCH,), 0, NUM_SAMPLES, dtype=jnp.int64 if jax.config.jax_enable_x64 else jnp.int32).astype(jnp.int32)
    feats = jax.random.normal(k3, (NUM_SAMPLES, NUM_FEATURES), dtype=jnp.float32)
    features = feats / jnp.maximum(jnp.linalg.norm(feats, axis=1, keepdims=True), 1e-12)
    labels = jax.random.randint(k4, (NUM_SAMPLES,), 0, NUM_CLASSES, dtype=jnp.int32)
    return {"inputs": inputs, "indexes": indexes, "features": features, "labels": labels}


def reference(inputs, indexes, features, labels):
    # F.normalize(inputs, dim=1)
    x = inputs / jnp.maximum(jnp.linalg.norm(inputs, axis=1, keepdims=True), 1e-12)
    # HM forward: inputs.mm(features.t()), then /= temp
    sims = (x @ features.T) / TEMP  # [B, N]
    # sim index_add over labels: [C, B]
    sim = jax.ops.segment_sum(sims.T, labels, num_segments=NUM_CLASSES)
    nums = jax.ops.segment_sum(jnp.ones((NUM_SAMPLES, 1), jnp.float32), labels, num_segments=NUM_CLASSES)  # [C, 1]
    mask = (nums > 0).astype(jnp.float32)  # [C, 1]
    sim = sim / (mask * nums + (1.0 - mask))  # class-mean similarity
    # masked_softmax over classes, per-row
    vec = sim.T  # [B, C]
    exps = jnp.exp(vec)
    masked_exps = exps * mask.T  # broadcast [1, C]
    masked_sums = jnp.sum(masked_exps, axis=1, keepdims=True) + 1e-6
    masked_sim = masked_exps / masked_sums
    # nll_loss(log(masked_sim + 1e-6), targets)
    targets = labels[indexes]  # [B]
    logp = jnp.log(masked_sim + 1e-6)
    picked = jnp.take_along_axis(logp, targets[:, None], axis=1)[:, 0]
    loss = -jnp.mean(picked)
    return loss

if __name__ == "__main__":
    import jax
    _d = setup_inputs()
    print(jax.jit(kernel)(*tuple(_d.values())))

</pallas_src>

<mosaic_0001>
#map = affine_map<(d0, d1) -> (0, 0)>
#map1 = affine_map<(d0, d1) -> (0)>
#map2 = affine_map<(d0, d1) -> (0, 0, 0)>
module attributes {stable_mosaic.version = 14 : i64} {
  func.func @_sc_body(%arg0: i32, %arg1: i32, %arg2: memref<100000x128xf32, #tpu.memory_space<hbm>>, %arg3: memref<100000xi32, #tpu.memory_space<hbm>>, %arg4: memref<1024xi32, #tpu.memory_space<hbm>>, %arg5: memref<2x1000x128xf32, #tpu.memory_space<hbm>>, %arg6: memref<2x1000x128xf32, #tpu.memory_space<hbm>>, %arg7: memref<1024xi32, #tpu.memory_space<hbm>>, %arg8: memref<128xi32, #tpu.memory_space<vmem>>, %arg9: memref<128xi32, #tpu.memory_space<vmem>>, %arg10: memref<128x128xf32, #tpu.memory_space<vmem>>, %arg11: memref<128x128xf32, #tpu.memory_space<vmem>>, %arg12: memref<128x128xf32, #tpu.memory_space<vmem>>, %arg13: memref<64x128xf32, #tpu.memory_space<vmem>>, %arg14: memref<32xi32, #tpu.memory_space<vmem>>, %arg15: memref<32x128xf32, #tpu.memory_space<vmem>>, %arg16: memref<32xi32, #tpu.memory_space<vmem>>, %arg17: memref<32xi32, #tpu.memory_space<vmem>>, %arg18: memref<1000x128xf32, #tpu.memory_space<vmem_shared>>, %arg19: memref<1000x128xf32, #tpu.memory_space<vmem_shared>>, %arg20: memref<!tpu.dma_semaphore, #tpu.memory_space<semaphore_mem>>, %arg21: memref<!tpu.dma_semaphore, #tpu.memory_space<semaphore_mem>>, %arg22: memref<!tpu.dma_semaphore, #tpu.memory_space<semaphore_mem>>) attributes {dimension_semantics = [#tpu.dimension_semantics<core_parallel>, #tpu.dimension_semantics<subcore_parallel>], iteration_bounds = array<i64: 2, 16>, scalar_prefetch = 0 : i64, scratch_operands = 15 : i64, tpu.core_type = #tpu.core_type<sc_vector_subcore>, window_params = [{transform_indices = #map}, {transform_indices = #map1}, {transform_indices = #map1}, {transform_indices = #map2}, {transform_indices = #map2}, {transform_indices = #map1}]} {
    %mul3A = arith.constant 2 : i32
    %mul3A_0 = arith.muli %arg1, %mul3A : i32
    %add3A = arith.addi %mul3A_0, %arg0 : i32
    %scan3A = arith.constant 0 : i32
    %scan3A_1 = arith.constant 0 : i32
    %scan3A_2 = arith.constant 128 : i32
    %scan3A_3 = arith.addi %scan3A_1, %scan3A_2 : i32
    %scan3A_4 = arith.constant 1 : i32
    scf.for %scan3A_71 = %scan3A_1 to %scan3A_3 step %scan3A_4  : i32 {
      %broadcast_in_dim3A = arith.constant 1.000000e+00 : f32
      %broadcast_in_dim3A_72 = vector.broadcast %broadcast_in_dim3A : f32 to vector<16xf32>
      %swap3A = arith.index_cast %scan3A_71 : i32 to index
      %swap3A_73 = arith.constant 0 : index
      %swap3A_74 = tpu.vector_load %arg12[%swap3A, %swap3A_73] {strides = array<i32>} : memref<128x128xf32, #tpu.memory_space<vmem>>, vector<1x16xf32>,
      %swap3A_75 = vector.shape_cast %swap3A_74 : vector<1x16xf32> to vector<16xf32>
      %swap3A_76 = vector.shape_cast %broadcast_in_dim3A_72 : vector<16xf32> to vector<1x16xf32>
      tpu.vector_store %arg12[%swap3A, %swap3A_73], %swap3A_76 {strides = array<i32>} : memref<128x128xf32, #tpu.memory_space<vmem>>, vector<1x16xf32>,
      %broadcast_in_dim3A_77 = arith.constant 1.000000e+00 : f32
      %broadcast_in_dim3A_78 = vector.broadcast %broadcast_in_dim3A_77 : f32 to vector<16xf32>
      %swap3A_79 = arith.index_cast %scan3A_71 : i32 to index
      %swap3A_80 = arith.constant 16 : index
      %swap3A_81 = tpu.vector_load %arg12[%swap3A_79, %swap3A_80] {strides = array<i32>} : memref<128x128xf32, #tpu.memory_space<vmem>>, vector<1x16xf32>,
      %swap3A_82 = vector.shape_cast %swap3A_81 : vector<1x16xf32> to vector<16xf32>
      %swap3A_83 = vector.shape_cast %broadcast_in_dim3A_78 : vector<16xf32> to vector<1x16xf32>
      tpu.vector_store %arg12[%swap3A_79, %swap3A_80], %swap3A_83 {strides = array<i32>} : memref<128x128xf32, #tpu.memory_space<vmem>>, vector<1x16xf32>,
      %broadcast_in_dim3A_84 = arith.constant 1.000000e+00 : f32
      %broadcast_in_dim3A_85 = vector.broadcast %broadcast_in_dim3A_84 : f32 to vector<16xf32>
      %swap3A_86 = arith.index_cast %scan3A_71 : i32 to index
      %swap3A_87 = arith.constant 32 : index
      %swap3A_88 = tpu.vector_load %arg12[%swap3A_86, %swap3A_87] {strides = array<i32>} : memref<128x128xf32, #tpu.memory_space<vmem>>, vector<1x16xf32>,
      %swap3A_89 = vector.shape_cast %swap3A_88 : vector<1x16xf32> to vector<16xf32>
      %swap3A_90 = vector.shape_cast %broadcast_in_dim3A_85 : vector<16xf32> to vector<1x16xf32>
      tpu.vector_store %arg12[%swap3A_86, %swap3A_87], %swap3A_90 {strides = array<i32>} : memref<128x128xf32, #tpu.memory_space<vmem>>, vector<1x16xf32>,
      %broadcast_in_dim3A_91 = arith.constant 1.000000e+00 : f32
      %broadcast_in_dim3A_92 = vector.broadcast %broadcast_in_dim3A_91 : f32 to vector<16xf32>
      %swap3A_93 = arith.index_cast %scan3A_71 : i32 to index
      %swap3A_94 = arith.constant 48 : index
      %swap3A_95 = tpu.vector_load %arg12[%swap3A_93, %swap3A_94] {strides = array<i32>} : memref<128x128xf32, #tpu.memory_space<vmem>>, vector<1x16xf32>,
      %swap3A_96 = vector.shape_cast %swap3A_95 : vector<1x16xf32> to vector<16xf32>
      %swap3A_97 = vector.shape_cast %broadcast_in_dim3A_92 : vector<16xf32> to vector<1x16xf32>
      tpu.vector_store %arg12[%swap3A_93, %swap3A_94], %swap3A_97 {strides = array<i32>} : memref<128x128xf32, #tpu.memory_space<vmem>>, vector<1x16xf32>,
      %broadcast_in_dim3A_98 = arith.constant 1.000000e+00 : f32
      %broadcast_in_dim3A_99 = vector.broadcast %broadcast_in_dim3A_98 : f32 to vector<16xf32>
      %swap3A_100 = arith.index_cast %scan3A_71 : i32 to index
      %swap3A_101 = arith.constant 64 : index
      %swap3A_102 = tpu.vector_load %arg12[%swap3A_100, %swap3A_101] {strides = array<i32>} : memref<128x128xf32, #tpu.memory_space<vmem>>, vector<1x16xf32>,
      %swap3A_103 = vector.shape_cast %swap3A_102 : vector<1x16xf32> to vector<16xf32>
      %swap3A_104 = vector.shape_cast %broadcast_in_dim3A_99 : vector<16xf32> to vector<1x16xf32>
      tpu.vector_store %arg12[%swap3A_100, %swap3A_101], %swap3A_104 {strides = array<i32>} : memref<128x128xf32, #tpu.memory_space<vmem>>, vector<1x16xf32>,
      %broadcast_in_dim3A_105 = arith.constant 1.000000e+00 : f32
      %broadcast_in_dim3A_106 = vector.broadcast %broadcast_in_dim3A_105 : f32 to vector<16xf32>
      %swap3A_107 = arith.index_cast %scan3A_71 : i32 to index
      %swap3A_108 = arith.constant 80 : index
      %swap3A_109 = tpu.vector_load %arg12[%swap3A_107, %swap3A_108] {strides = array<i32>} : memref<128x128xf32, #tpu.memory_space<vmem>>, vector<1x16xf32>,
      %swap3A_110 = vector.shape_cast %swap3A_109 : vector<1x16xf32> to vector<16xf32>
      %swap3A_111 = vector.shape_cast %broadcast_in_dim3A_106 : vector<16xf32> to vector<1x16xf32>
      tpu.vector_store %arg12[%swap3A_107, %swap3A_108], %swap3A_111 {strides = array<i32>} : memref<128x128xf32, #tpu.memory_space<vmem>>, vector<1x16xf32>,
      %broadcast_in_dim3A_112 = arith.constant 1.000000e+00 : f32
      %broadcast_in_dim3A_113 = vector.broadcast %broadcast_in_dim3A_112 : f32 to vector<16xf32>
      %swap3A_114 = arith.index_cast %scan3A_71 : i32 to index
      %swap3A_115 = arith.constant 96 : index
      %swap3A_116 = tpu.vector_load %arg12[%swap3A_114, %swap3A_115] {strides = array<i32>} : memref<128x128xf32, #tpu.memory_space<vmem>>, vector<1x16xf32>,
      %swap3A_117 = vector.shape_cast %swap3A_116 : vector<1x16xf32> to vector<16xf32>
      %swap3A_118 = vector.shape_cast %broadcast_in_dim3A_113 : vector<16xf32> to vector<1x16xf32>
      tpu.vector_store %arg12[%swap3A_114, %swap3A_115], %swap3A_118 {strides = array<i32>} : memref<128x128xf32, #tpu.memory_space<vmem>>, vector<1x16xf32>,
      %broadcast_in_dim3A_119 = arith.constant 1.000000e+00 : f32
      %broadcast_in_dim3A_120 = vector.broadcast %broadcast_in_dim3A_119 : f32 to vector<16xf32>
      %swap3A_121 = arith.index_cast %scan3A_71 : i32 to index
      %swap3A_122 = arith.constant 112 : index
      %swap3A_123 = tpu.vector_load %arg12[%swap3A_121, %swap3A_122] {strides = array<i32>} : memref<128x128xf32, #tpu.memory_space<vmem>>, vector<1x16xf32>,
      %swap3A_124 = vector.shape_cast %swap3A_123 : vector<1x16xf32> to vector<16xf32>
      %swap3A_125 = vector.shape_cast %broadcast_in_dim3A_120 : vector<16xf32> to vector<1x16xf32>
      tpu.vector_store %arg12[%swap3A_121, %swap3A_122], %swap3A_125 {strides = array<i32>} : memref<128x128xf32, #tpu.memory_space<vmem>>, vector<1x16xf32>,
    }
    %scan3A_5 = arith.constant 128 : i32
    %scan3A_6 = arith.constant 0 : i32
    %scan3A_7 = arith.constant 0 : i32
    %scan3A_8 = arith.constant 64 : i32
    %scan3A_9 = arith.addi %scan3A_7, %scan3A_8 : i32
    %scan3A_10 = arith.constant 1 : i32
    scf.for %scan3A_71 = %scan3A_7 to %scan3A_9 step %scan3A_10  : i32 {
      %broadcast_in_dim3A = arith.constant 0.000000e+00 : f32
      %broadcast_in_dim3A_72 = vector.broadcast %broadcast_in_dim3A : f32 to vector<16xf32>
      %swap3A = arith.index_cast %scan3A_71 : i32 to index
      %swap3A_73 = arith.constant 0 : index
      %swap3A_74 = tpu.vector_load %arg13[%swap3A, %swap3A_73] {strides = array<i32>} : memref<64x128xf32, #tpu.memory_space<vmem>>, vector<1x16xf32>,
      %swap3A_75 = vector.shape_cast %swap3A_74 : vector<1x16xf32> to vector<16xf32>
      %swap3A_76 = vector.shape_cast %broadcast_in_dim3A_72 : vector<16xf32> to vector<1x16xf32>
      tpu.vector_store %arg13[%swap3A, %swap3A_73], %swap3A_76 {strides = array<i32>} : memref<64x128xf32, #tpu.memory_space<vmem>>, vector<1x16xf32>,
      %broadcast_in_dim3A_77 = arith.constant 0.000000e+00 : f32
      %broadcast_in_dim3A_78 = vector.broadcast %broadcast_in_dim3A_77 : f32 to vector<16xf32>
      %swap3A_79 = arith.index_cast %scan3A_71 : i32 to index
      %swap3A_80 = arith.constant 16 : index
      %swap3A_81 = tpu.vector_load %arg13[%swap3A_79, %swap3A_80] {strides = array<i32>} : memref<64x128xf32, #tpu.memory_space<vmem>>, vector<1x16xf32>,
      %swap3A_82 = vector.shape_cast %swap3A_81 : vector<1x16xf32> to vector<16xf32>
      %swap3A_83 = vector.shape_cast %broadcast_in_dim3A_78 : vector<16xf32> to vector<1x16xf32>
      tpu.vector_store %arg13[%swap3A_79, %swap3A_80], %swap3A_83 {strides = array<i32>} : memref<64x128xf32, #tpu.memory_space<vmem>>, vector<1x16xf32>,
      %broadcast_in_dim3A_84 = arith.constant 0.000000e+00 : f32
      %broadcast_in_dim3A_85 = vector.broadcast %broadcast_in_dim3A_84 : f32 to vector<16xf32>
      %swap3A_86 = arith.index_cast %scan3A_71 : i32 to index
      %swap3A_87 = arith.constant 32 : index
      %swap3A_88 = tpu.vector_load %arg13[%swap3A_86, %swap3A_87] {strides = array<i32>} : memref<64x128xf32, #tpu.memory_space<vmem>>, vector<1x16xf32>,
      %swap3A_89 = vector.shape_cast %swap3A_88 : vector<1x16xf32> to vector<16xf32>
      %swap3A_90 = vector.shape_cast %broadcast_in_dim3A_85 : vector<16xf32> to vector<1x16xf32>
      tpu.vector_store %arg13[%swap3A_86, %swap3A_87], %swap3A_90 {strides = array<i32>} : memref<64x128xf32, #tpu.memory_space<vmem>>, vector<1x16xf32>,
      %broadcast_in_dim3A_91 = arith.constant 0.000000e+00 : f32
      %broadcast_in_dim3A_92 = vector.broadcast %broadcast_in_dim3A_91 : f32 to vector<16xf32>
      %swap3A_93 = arith.index_cast %scan3A_71 : i32 to index
      %swap3A_94 = arith.constant 48 : index
      %swap3A_95 = tpu.vector_load %arg13[%swap3A_93, %swap3A_94] {strides = array<i32>} : memref<64x128xf32, #tpu.memory_space<vmem>>, vector<1x16xf32>,
      %swap3A_96 = vector.shape_cast %swap3A_95 : vector<1x16xf32> to vector<16xf32>
      %swap3A_97 = vector.shape_cast %broadcast_in_dim3A_92 : vector<16xf32> to vector<1x16xf32>
      tpu.vector_store %arg13[%swap3A_93, %swap3A_94], %swap3A_97 {strides = array<i32>} : memref<64x128xf32, #tpu.memory_space<vmem>>, vector<1x16xf32>,
      %broadcast_in_dim3A_98 = arith.constant 0.000000e+00 : f32
      %broadcast_in_dim3A_99 = vector.broadcast %broadcast_in_dim3A_98 : f32 to vector<16xf32>
      %swap3A_100 = arith.index_cast %scan3A_71 : i32 to index
      %swap3A_101 = arith.constant 64 : index
      %swap3A_102 = tpu.vector_load %arg13[%swap3A_100, %swap3A_101] {strides = array<i32>} : memref<64x128xf32, #tpu.memory_space<vmem>>, vector<1x16xf32>,
      %swap3A_103 = vector.shape_cast %swap3A_102 : vector<1x16xf32> to vector<16xf32>
      %swap3A_104 = vector.shape_cast %broadcast_in_dim3A_99 : vector<16xf32> to vector<1x16xf32>
      tpu.vector_store %arg13[%swap3A_100, %swap3A_101], %swap3A_104 {strides = array<i32>} : memref<64x128xf32, #tpu.memory_space<vmem>>, vector<1x16xf32>,
      %broadcast_in_dim3A_105 = arith.constant 0.000000e+00 : f32
      %broadcast_in_dim3A_106 = vector.broadcast %broadcast_in_dim3A_105 : f32 to vector<16xf32>
      %swap3A_107 = arith.index_cast %scan3A_71 : i32 to index
      %swap3A_108 = arith.constant 80 : index
      %swap3A_109 = tpu.vector_load %arg13[%swap3A_107, %swap3A_108] {strides = array<i32>} : memref<64x128xf32, #tpu.memory_space<vmem>>, vector<1x16xf32>,
      %swap3A_110 = vector.shape_cast %swap3A_109 : vector<1x16xf32> to vector<16xf32>
      %swap3A_111 = vector.shape_cast %broadcast_in_dim3A_106 : vector<16xf32> to vector<1x16xf32>
      tpu.vector_store %arg13[%swap3A_107, %swap3A_108], %swap3A_111 {strides = array<i32>} : memref<64x128xf32, #tpu.memory_space<vmem>>, vector<1x16xf32>,
      %broadcast_in_dim3A_112 = arith.constant 0.000000e+00 : f32
      %broadcast_in_dim3A_113 = vector.broadcast %broadcast_in_dim3A_112 : f32 to vector<16xf32>
      %swap3A_114 = arith.index_cast %scan3A_71 : i32 to index
      %swap3A_115 = arith.constant 96 : index
      %swap3A_116 = tpu.vector_load %arg13[%swap3A_114, %swap3A_115] {strides = array<i32>} : memref<64x128xf32, #tpu.memory_space<vmem>>, vector<1x16xf32>,
      %swap3A_117 = vector.shape_cast %swap3A_116 : vector<1x16xf32> to vector<16xf32>
      %swap3A_118 = vector.shape_cast %broadcast_in_dim3A_113 : vector<16xf32> to vector<1x16xf32>
      tpu.vector_store %arg13[%swap3A_114, %swap3A_115], %swap3A_118 {strides = array<i32>} : memref<64x128xf32, #tpu.memory_space<vmem>>, vector<1x16xf32>,
      %broadcast_in_dim3A_119 = arith.constant 0.000000e+00 : f32
      %broadcast_in_dim3A_120 = vector.broadcast %broadcast_in_dim3A_119 : f32 to vector<16xf32>
      %swap3A_121 = arith.index_cast %scan3A_71 : i32 to index
      %swap3A_122 = arith.constant 112 : index
      %swap3A_123 = tpu.vector_load %arg13[%swap3A_121, %swap3A_122] {strides = array<i32>} : memref<64x128xf32, #tpu.memory_space<vmem>>, vector<1x16xf32>,
      %swap3A_124 = vector.shape_cast %swap3A_123 : vector<1x16xf32> to vector<16xf32>
      %swap3A_125 = vector.shape_cast %broadcast_in_dim3A_120 : vector<16xf32> to vector<1x16xf32>
      tpu.vector_store %arg13[%swap3A_121, %swap3A_122], %swap3A_125 {strides = array<i32>} : memref<64x128xf32, #tpu.memory_space<vmem>>, vector<1x16xf32>,
    }
    %scan3A_11 = arith.constant 64 : i32
    %lt3A = arith.constant 13 : i32
    %lt3A_12 = arith.cmpi slt, %add3A, %lt3A : i32
    %jit3A = arith.constant 25 : i32
    %jit3A_13 = arith.constant 24 : i32
    %select_n3A = arith.select %lt3A_12, %jit3A, %jit3A_13 : i32
    %add3A_14 = arith.constant 0 : i32
    %add3A_15 = arith.addi %add3A, %add3A_14 : i32
    %mul3A_16 = arith.constant 128 : i32
    %mul3A_17 = arith.muli %add3A_15, %mul3A_16 : i32
    %multiple_of3A = tpu.assume_multiple %mul3A_17, 128 : i32
    %dma_start3A = tpu.memref_slice %arg3[%multiple_of3A] : memref<100000xi32, #tpu.memory_space<hbm>> -> memref<128xi32, #tpu.memory_space<hbm>>
    %dma_start3A_18 = tpu.memref_slice %arg3[%multiple_of3A] : memref<100000xi32, #tpu.memory_space<hbm>> -> memref<128xi32, #tpu.memory_space<hbm>>
    tpu.enqueue_dma source(%dma_start3A_18 : memref<128xi32, #tpu.memory_space<hbm>>) target(%arg8 : memref<128xi32, #tpu.memory_space<vmem>>) target_semaphore(%arg20 : memref<!tpu.dma_semaphore, #tpu.memory_space<semaphore_mem>>)
    %dma_start3A_19 = arith.constant 0 : i32
    %dma_start3A_20 = tpu.memref_slice %arg2[%multiple_of3A, %dma_start3A_19] : memref<100000x128xf32, #tpu.memory_space<hbm>> -> memref<128x128xf32, #tpu.memory_space<hbm>>
    %dma_start3A_21 = arith.constant 0 : i32
    %dma_start3A_22 = tpu.memref_slice %arg2[%multiple_of3A, %dma_start3A_21] : memref<100000x128xf32, #tpu.memory_space<hbm>> -> memref<128x128xf32, #tpu.memory_space<hbm>>
    tpu.enqueue_dma source(%dma_start3A_22 : memref<128x128xf32, #tpu.memory_space<hbm>>) target(%arg10 : memref<128x128xf32, #tpu.memory_space<vmem>>) target_semaphore(%arg20 : memref<!tpu.dma_semaphore, #tpu.memory_space<semaphore_mem>>)
    %add3A_23 = arith.constant 32 : i32
    %add3A_24 = arith.addi %add3A, %add3A_23 : i32
    %mul3A_25 = arith.constant 128 : i32
    %mul3A_26 = arith.muli %add3A_24, %mul3A_25 : i32
    %multiple_of3A_27 = tpu.assume_multiple %mul3A_26, 128 : i32
    %dma_start3A_28 = tpu.memref_slice %arg3[%multiple_of3A_27] : memref<100000xi32, #tpu.memory_space<hbm>> -> memref<128xi32, #tpu.memory_space<hbm>>
    %dma_start3A_29 = tpu.memref_slice %arg3[%multiple_of3A_27] : memref<100000xi32, #tpu.memory_space<hbm>> -> memref<128xi32, #tpu.memory_space<hbm>>
    tpu.enqueue_dma source(%dma_start3A_29 : memref<128xi32, #tpu.memory_space<hbm>>) target(%arg9 : memref<128xi32, #tpu.memory_space<vmem>>) target_semaphore(%arg21 : memref<!tpu.dma_semaphore, #tpu.memory_space<semaphore_mem>>)
    %dma_start3A_30 = arith.constant 0 : i32
    %dma_start3A_31 = tpu.memref_slice %arg2[%multiple_of3A_27, %dma_start3A_30] : memref<100000x128xf32, #tpu.memory_space<hbm>> -> memref<128x128xf32, #tpu.memory_space<hbm>>
    %dma_start3A_32 = arith.constant 0 : i32
    %dma_start3A_33 = tpu.memref_slice %arg2[%multiple_of3A_27, %dma_start3A_32] : memref<100000x128xf32, #tpu.memory_space<hbm>> -> memref<128x128xf32, #tpu.memory_space<hbm>>
    tpu.enqueue_dma source(%dma_start3A_33 : memref<128x128xf32, #tpu.memory_space<hbm>>) target(%arg11 : memref<128x128xf32, #tpu.memory_space<vmem>>) target_semaphore(%arg21 : memref<!tpu.dma_semaphore, #tpu.memory_space<semaphore_mem>>)
    %mul3A_34 = arith.constant 32 : i32
    %mul3A_35 = arith.muli %add3A, %mul3A_34 : i32
    %multiple_of3A_36 = tpu.assume_multiple %mul3A_35, 32 : i32
    "tpu.region"() ({
      %run_scoped3A = tpu.sem_alloc : memref<!tpu.dma_semaphore, #tpu.memory_space<semaphore_mem>>
      %dma_start3A_71 = tpu.memref_slice %arg4[%multiple_of3A_36] : memref<1024xi32, #tpu.memory_space<hbm>> -> memref<32xi32, #tpu.memory_space<hbm>>
      %dma_start3A_72 = tpu.memref_slice %arg4[%multiple_of3A_36] : memref<1024xi32, #tpu.memory_space<hbm>> -> memref<32xi32, #tpu.memory_space<hbm>>
      tpu.enqueue_dma source(%dma_start3A_72 : memref<32xi32, #tpu.memory_space<hbm>>) target(%arg16 : memref<32xi32, #tpu.memory_space<vmem>>) target_semaphore(%run_scoped3A : memref<!tpu.dma_semaphore, #tpu.memory_space<semaphore_mem>>)
      %dma_wait3A_73 = tpu.memref_slice %arg4[%multiple_of3A_36] : memref<1024xi32, #tpu.memory_space<hbm>> -> memref<32xi32, #tpu.memory_space<hbm>>
      %dma_wait3A_74 = tpu.memref_slice %arg4[%multiple_of3A_36] : memref<1024xi32, #tpu.memory_space<hbm>> -> memref<32xi32, #tpu.memory_space<hbm>>
      tpu.wait_dma2 semaphore(%run_scoped3A : memref<!tpu.dma_semaphore, #tpu.memory_space<semaphore_mem>>) src(%dma_wait3A_74 : memref<32xi32, #tpu.memory_space<hbm>>) dst(%arg16 : memref<32xi32, #tpu.memory_space<vmem>>)
      tpu.yield
    }) : () -> ()
    %dma_start3A_37 = arith.constant 0 : i32
    %dma_start3A_38 = tpu.memref_slice %arg3[%dma_start3A_37] : memref<100000xi32, #tpu.memory_space<hbm>> -> memref<100000xi32, #tpu.memory_space<hbm>>
    tpu.enqueue_indirect_dma source(%dma_start3A_38 : memref<100000xi32, #tpu.memory_space<hbm>>) target(%arg17 : memref<32xi32, #tpu.memory_space<vmem>>) offsets(%arg16 : memref<32xi32, #tpu.memory_space<vmem>>) semaphore(%arg22 : memref<!tpu.dma_semaphore, #tpu.memory_space<semaphore_mem>>)
    %dma_wait3A = arith.constant 0 : i32
    %dma_wait3A_39 = tpu.memref_slice %arg3[%dma_wait3A] : memref<100000xi32, #tpu.memory_space<hbm>> -> memref<100000xi32, #tpu.memory_space<hbm>>
    tpu.wait_indirect_dma semaphore(%arg22 : memref<!tpu.dma_semaphore, #tpu.memory_space<semaphore_mem>>) src(%dma_wait3A_39 : memref<100000xi32, #tpu.memory_space<hbm>>) dst(%arg17 : memref<32xi32, #tpu.memory_space<vmem>>)
    "tpu.region"() ({
      %run_scoped3A = tpu.sem_alloc : memref<!tpu.dma_semaphore, #tpu.memory_space<semaphore_mem>>
      %dma_start3A_71 = tpu.memref_slice %arg7[%multiple_of3A_36] : memref<1024xi32, #tpu.memory_space<hbm>> -> memref<32xi32, #tpu.memory_space<hbm>>
      %dma_start3A_72 = tpu.memref_slice %arg7[%multiple_of3A_36] : memref<1024xi32, #tpu.memory_space<hbm>> -> memref<32xi32, #tpu.memory_space<hbm>>
      tpu.enqueue_dma source(%arg17 : memref<32xi32, #tpu.memory_space<vmem>>) target(%dma_start3A_72 : memref<32xi32, #tpu.memory_space<hbm>>) target_semaphore(%run_scoped3A : memref<!tpu.dma_semaphore, #tpu.memory_space<semaphore_mem>>)
      %dma_wait3A_73 = tpu.memref_slice %arg7[%multiple_of3A_36] : memref<1024xi32, #tpu.memory_space<hbm>> -> memref<32xi32, #tpu.memory_space<hbm>>
      %dma_wait3A_74 = tpu.memref_slice %arg7[%multiple_of3A_36] : memref<1024xi32, #tpu.memory_space<hbm>> -> memref<32xi32, #tpu.memory_space<hbm>>
      tpu.wait_dma2 semaphore(%run_scoped3A : memref<!tpu.dma_semaphore, #tpu.memory_space<semaphore_mem>>) src(%arg17 : memref<32xi32, #tpu.memory_space<vmem>>) dst(%dma_wait3A_74 : memref<32xi32, #tpu.memory_space<hbm>>)
      tpu.yield
    }) : () -> ()
    %mul3A_40 = arith.constant 64 : i32
    %mul3A_41 = arith.muli %arg1, %mul3A_40 : i32
    %lt3A_42 = arith.constant 15 : i32
    %lt3A_43 = arith.cmpi slt, %arg1, %lt3A_42 : i32
    %convert_element_type3A = arith.extui %lt3A_43 : i1 to i32
    %cond3A = arith.constant 0 : i32
    %cond3A_44 = arith.cmpi ne, %convert_element_type3A, %cond3A : i32
    scf.if %cond3A_44 {
      "tpu.region"() ({
        %run_scoped3A = tpu.sem_alloc : memref<!tpu.dma_semaphore, #tpu.memory_space<semaphore_mem>>
        %dma_start3A_71 = arith.constant 0 : i32
        %dma_start3A_72 = tpu.memref_slice %arg18[%mul3A_41, %dma_start3A_71] : memref<1000x128xf32, #tpu.memory_space<vmem_shared>> -> memref<64x128xf32, #tpu.memory_space<vmem_shared>>
        %dma_start3A_73 = arith.constant 0 : i32
        %dma_start3A_74 = tpu.memref_slice %arg18[%mul3A_41, %dma_start3A_73] : memref<1000x128xf32, #tpu.memory_space<vmem_shared>> -> memref<64x128xf32, #tpu.memory_space<vmem_shared>>
        tpu.enqueue_dma source(%arg13 : memref<64x128xf32, #tpu.memory_space<vmem>>) target(%dma_start3A_74 : memref<64x128xf32, #tpu.memory_space<vmem_shared>>) target_semaphore(%run_scoped3A : memref<!tpu.dma_semaphore, #tpu.memory_space<semaphore_mem>>)
        %dma_wait3A_75 = arith.constant 0 : i32
        %dma_wait3A_76 = tpu.memref_slice %arg18[%mul3A_41, %dma_wait3A_75] : memref<1000x128xf32, #tpu.memory_space<vmem_shared>> -> memref<64x128xf32, #tpu.memory_space<vmem_shared>>
        %dma_wait3A_77 = arith.constant 0 : i32
        %dma_wait3A_78 = tpu.memref_slice %arg18[%mul3A_41, %dma_wait3A_77] : memref<1000x128xf32, #tpu.memory_space<vmem_shared>> -> memref<64x128xf32, #tpu.memory_space<vmem_shared>>
        tpu.wait_dma2 semaphore(%run_scoped3A : memref<!tpu.dma_semaphore, #tpu.memory_space<semaphore_mem>>) src(%arg13 : memref<64x128xf32, #tpu.memory_space<vmem>>) dst(%dma_wait3A_78 : memref<64x128xf32, #tpu.memory_space<vmem_shared>>)
        tpu.yield
      }) : () -> ()
      "tpu.region"() ({
        %run_scoped3A = tpu.sem_alloc : memref<!tpu.dma_semaphore, #tpu.memory_space<semaphore_mem>>
        %dma_start3A_71 = arith.constant 0 : i32
        %dma_start3A_72 = tpu.memref_slice %arg19[%mul3A_41, %dma_start3A_71] : memref<1000x128xf32, #tpu.memory_space<vmem_shared>> -> memref<64x128xf32, #tpu.memory_space<vmem_shared>>
        %dma_start3A_73 = arith.constant 0 : i32
        %dma_start3A_74 = tpu.memref_slice %arg19[%mul3A_41, %dma_start3A_73] : memref<1000x128xf32, #tpu.memory_space<vmem_shared>> -> memref<64x128xf32, #tpu.memory_space<vmem_shared>>
        tpu.enqueue_dma source(%arg13 : memref<64x128xf32, #tpu.memory_space<vmem>>) target(%dma_start3A_74 : memref<64x128xf32, #tpu.memory_space<vmem_shared>>) target_semaphore(%run_scoped3A : memref<!tpu.dma_semaphore, #tpu.memory_space<semaphore_mem>>)
        %dma_wait3A_75 = arith.constant 0 : i32
        %dma_wait3A_76 = tpu.memref_slice %arg19[%mul3A_41, %dma_wait3A_75] : memref<1000x128xf32, #tpu.memory_space<vmem_shared>> -> memref<64x128xf32, #tpu.memory_space<vmem_shared>>
        %dma_wait3A_77 = arith.constant 0 : i32
        %dma_wait3A_78 = tpu.memref_slice %arg19[%mul3A_41, %dma_wait3A_77] : memref<1000x128xf32, #tpu.memory_space<vmem_shared>> -> memref<64x128xf32, #tpu.memory_space<vmem_shared>>
        tpu.wait_dma2 semaphore(%run_scoped3A : memref<!tpu.dma_semaphore, #tpu.memory_space<semaphore_mem>>) src(%arg13 : memref<64x128xf32, #tpu.memory_space<vmem>>) dst(%dma_wait3A_78 : memref<64x128xf32, #tpu.memory_space<vmem_shared>>)
        tpu.yield
      }) : () -> ()
    } else {
    }
    %eq3A = arith.constant 15 : i32
    %eq3A_45 = arith.cmpi eq, %arg1, %eq3A : i32
    %convert_element_type3A_46 = arith.extui %eq3A_45 : i1 to i32
    %cond3A_47 = arith.constant 0 : i32
    %cond3A_48 = arith.cmpi ne, %convert_element_type3A_46, %cond3A_47 : i32
    scf.if %cond3A_48 {
      "tpu.region"() ({
        %run_scoped3A = tpu.sem_alloc : memref<!tpu.dma_semaphore, #tpu.memory_space<semaphore_mem>>
        %dma_start3A_71 = arith.constant 0 : i32
        %dma_start3A_72 = arith.constant 0 : i32
        %dma_start3A_73 = tpu.memref_slice %arg13[%dma_start3A_71, %dma_start3A_72] : memref<64x128xf32, #tpu.memory_space<vmem>> -> memref<40x128xf32, #tpu.memory_space<vmem>>
        %dma_start3A_74 = arith.constant 960 : i32
        %dma_start3A_75 = arith.constant 0 : i32
        %dma_start3A_76 = tpu.memref_slice %arg18[%dma_start3A_74, %dma_start3A_75] : memref<1000x128xf32, #tpu.memory_space<vmem_shared>> -> memref<40x128xf32, #tpu.memory_space<vmem_shared>>
        %dma_start3A_77 = arith.constant 960 : i32
        %dma_start3A_78 = arith.constant 0 : i32
        %dma_start3A_79 = tpu.memref_slice %arg18[%dma_start3A_77, %dma_start3A_78] : memref<1000x128xf32, #tpu.memory_space<vmem_shared>> -> memref<40x128xf32, #tpu.memory_space<vmem_shared>>
        %dma_start3A_80 = arith.constant 0 : i32
        %dma_start3A_81 = arith.constant 0 : i32
        %dma_start3A_82 = tpu.memref_slice %arg13[%dma_start3A_80, %dma_start3A_81] : memref<64x128xf32, #tpu.memory_space<vmem>> -> memref<40x128xf32, #tpu.memory_space<vmem>>
        tpu.enqueue_dma source(%dma_start3A_82 : memref<40x128xf32, #tpu.memory_space<vmem>>) target(%dma_start3A_79 : memref<40x128xf32, #tpu.memory_space<vmem_shared>>) target_semaphore(%run_scoped3A : memref<!tpu.dma_semaphore, #tpu.memory_space<semaphore_mem>>)
        %dma_wait3A_83 = arith.constant 0 : i32
        %dma_wait3A_84 = arith.constant 0 : i32
        %dma_wait3A_85 = tpu.memref_slice %arg13[%dma_wait3A_83, %dma_wait3A_84] : memref<64x128xf32, #tpu.memory_space<vmem>> -> memref<40x128xf32, #tpu.memory_space<vmem>>
        %dma_wait3A_86 = arith.constant 960 : i32
        %dma_wait3A_87 = arith.constant 0 : i32
        %dma_wait3A_88 = tpu.memref_slice %arg18[%dma_wait3A_86, %dma_wait3A_87] : memref<1000x128xf32, #tpu.memory_space<vmem_shared>> -> memref<40x128xf32, #tpu.memory_space<vmem_shared>>
        %dma_wait3A_89 = arith.constant 960 : i32
        %dma_wait3A_90 = arith.constant 0 : i32
        %dma_wait3A_91 = tpu.memref_slice %arg18[%dma_wait3A_89, %dma_wait3A_90] : memref<1000x128xf32, #tpu.memory_space<vmem_shared>> -> memref<40x128xf32, #tpu.memory_space<vmem_shared>>
        %dma_wait3A_92 = arith.constant 0 : i32
        %dma_wait3A_93 = arith.constant 0 : i32
        %dma_wait3A_94 = tpu.memref_slice %arg13[%dma_wait3A_92, %dma_wait3A_93] : memref<64x128xf32, #tpu.memory_space<vmem>> -> memref<40x128xf32, #tpu.memory_space<vmem>>
        tpu.wait_dma2 semaphore(%run_scoped3A : memref<!tpu.dma_semaphore, #tpu.memory_space<semaphore_mem>>) src(%dma_wait3A_94 : memref<40x128xf32, #tpu.memory_space<vmem>>) dst(%dma_wait3A_91 : memref<40x128xf32, #tpu.memory_space<vmem_shared>>)
        tpu.yield
      }) : () -> ()
      "tpu.region"() ({
        %run_scoped3A = tpu.sem_alloc : memref<!tpu.dma_semaphore, #tpu.memory_space<semaphore_mem>>
        %dma_start3A_71 = arith.constant 0 : i32
        %dma_start3A_72 = arith.constant 0 : i32
        %dma_start3A_73 = tpu.memref_slice %arg13[%dma_start3A_71, %dma_start3A_72] : memref<64x128xf32, #tpu.memory_space<vmem>> -> memref<40x128xf32, #tpu.memory_space<vmem>>
        %dma_start3A_74 = arith.constant 960 : i32
        %dma_start3A_75 = arith.constant 0 : i32
        %dma_start3A_76 = tpu.memref_slice %arg19[%dma_start3A_74, %dma_start3A_75] : memref<1000x128xf32, #tpu.memory_space<vmem_shared>> -> memref<40x128xf32, #tpu.memory_space<vmem_shared>>
        %dma_start3A_77 = arith.constant 960 : i32
        %dma_start3A_78 = arith.constant 0 : i32
        %dma_start3A_79 = tpu.memref_slice %arg19[%dma_start3A_77, %dma_start3A_78] : memref<1000x128xf32, #tpu.memory_space<vmem_shared>> -> memref<40x128xf32, #tpu.memory_space<vmem_shared>>
        %dma_start3A_80 = arith.constant 0 : i32
        %dma_start3A_81 = arith.constant 0 : i32
        %dma_start3A_82 = tpu.memref_slice %arg13[%dma_start3A_80, %dma_start3A_81] : memref<64x128xf32, #tpu.memory_space<vmem>> -> memref<40x128xf32, #tpu.memory_space<vmem>>
        tpu.enqueue_dma source(%dma_start3A_82 : memref<40x128xf32, #tpu.memory_space<vmem>>) target(%dma_start3A_79 : memref<40x128xf32, #tpu.memory_space<vmem_shared>>) target_semaphore(%run_scoped3A : memref<!tpu.dma_semaphore, #tpu.memory_space<semaphore_mem>>)
        %dma_wait3A_83 = arith.constant 0 : i32
        %dma_wait3A_84 = arith.constant 0 : i32
        %dma_wait3A_85 = tpu.memref_slice %arg13[%dma_wait3A_83, %dma_wait3A_84] : memref<64x128xf32, #tpu.memory_space<vmem>> -> memref<40x128xf32, #tpu.memory_space<vmem>>
        %dma_wait3A_86 = arith.constant 960 : i32
        %dma_wait3A_87 = arith.constant 0 : i32
        %dma_wait3A_88 = tpu.memref_slice %arg19[%dma_wait3A_86, %dma_wait3A_87] : memref<1000x128xf32, #tpu.memory_space<vmem_shared>> -> memref<40x128xf32, #tpu.memory_space<vmem_shared>>
        %dma_wait3A_89 = arith.constant 960 : i32
        %dma_wait3A_90 = arith.constant 0 : i32
        %dma_wait3A_91 = tpu.memref_slice %arg19[%dma_wait3A_89, %dma_wait3A_90] : memref<1000x128xf32, #tpu.memory_space<vmem_shared>> -> memref<40x128xf32, #tpu.memory_space<vmem_shared>>
        %dma_wait3A_92 = arith.constant 0 : i32
        %dma_wait3A_93 = arith.constant 0 : i32
        %dma_wait3A_94 = tpu.memref_slice %arg13[%dma_wait3A_92, %dma_wait3A_93] : memref<64x128xf32, #tpu.memory_space<vmem>> -> memref<40x128xf32, #tpu.memory_space<vmem>>
        tpu.wait_dma2 semaphore(%run_scoped3A : memref<!tpu.dma_semaphore, #tpu.memory_space<semaphore_mem>>) src(%dma_wait3A_94 : memref<40x128xf32, #tpu.memory_space<vmem>>) dst(%dma_wait3A_91 : memref<40x128xf32, #tpu.memory_space<vmem_shared>>)
        tpu.yield
      }) : () -> ()
    } else {
    }
    %barrier3A = arith.constant 0 : index
    tpu.barrier barrier_id(%barrier3A)
    %scan3A_49 = arith.constant 0 : i32
    %scan3A_50 = arith.constant 0 : i32
    %scan3A_51 = arith.constant 13 : i32
    %scan3A_52 = arith.addi %scan3A_50, %scan3A_51 : i32
    %scan3A_53 = arith.constant 1 : i32
    scf.for %scan3A_71 = %scan3A_50 to %scan3A_52 step %scan3A_53  : i32 {
      %mul3A_72 = arith.constant 2 : i32
      %mul3A_73 = arith.muli %mul3A_72, %scan3A_71 : i32
      %add3A_74 = arith.constant 0 : i32
      %add3A_75 = arith.addi %mul3A_73, %add3A_74 : i32
      %lt3A_76 = arith.cmpi slt, %add3A_75, %select_n3A : i32
      %convert_element_type3A_77 = arith.extui %lt3A_76 : i1 to i32
      %cond3A_78 = arith.constant 0 : i32
      %cond3A_79 = arith.cmpi ne, %convert_element_type3A_77, %cond3A_78 : i32
      scf.if %cond3A_79 {
        %mul3A_88 = arith.constant 32 : i32
        %mul3A_89 = arith.muli %mul3A_88, %add3A_75 : i32
        %add3A_90 = arith.addi %add3A, %mul3A_89 : i32
        %mul3A_91 = arith.constant 128 : i32
        %mul3A_92 = arith.muli %add3A_90, %mul3A_91 : i32
        %multiple_of3A_93 = tpu.assume_multiple %mul3A_92, 128 : i32
        %dma_wait3A_94 = tpu.memref_slice %arg3[%multiple_of3A_93] : memref<100000xi32, #tpu.memory_space<hbm>> -> memref<128xi32, #tpu.memory_space<hbm>>
        %dma_wait3A_95 = tpu.memref_slice %arg3[%multiple_of3A_93] : memref<100000xi32, #tpu.memory_space<hbm>> -> memref<128xi32, #tpu.memory_space<hbm>>
        tpu.wait_dma2 semaphore(%arg20 : memref<!tpu.dma_semaphore, #tpu.memory_space<semaphore_mem>>) src(%dma_wait3A_95 : memref<128xi32, #tpu.memory_space<hbm>>) dst(%arg8 : memref<128xi32, #tpu.memory_space<vmem>>)
        %dma_wait3A_96 = arith.constant 0 : i32
        %dma_wait3A_97 = tpu.memref_slice %arg2[%multiple_of3A_93, %dma_wait3A_96] : memref<100000x128xf32, #tpu.memory_space<hbm>> -> memref<128x128xf32, #tpu.memory_space<hbm>>
        %dma_wait3A_98 = arith.constant 0 : i32
        %dma_wait3A_99 = tpu.memref_slice %arg2[%multiple_of3A_93, %dma_wait3A_98] : memref<100000x128xf32, #tpu.memory_space<hbm>> -> memref<128x128xf32, #tpu.memory_space<hbm>>
        tpu.wait_dma2 semaphore(%arg20 : memref<!tpu.dma_semaphore, #tpu.memory_space<semaphore_mem>>) src(%dma_wait3A_99 : memref<128x128xf32, #tpu.memory_space<hbm>>) dst(%arg10 : memref<128x128xf32, #tpu.memory_space<vmem>>)
        "tpu.region"() ({
          %run_scoped3A = tpu.sem_alloc : memref<!tpu.dma_semaphore, #tpu.memory_space<semaphore_mem>>
          %dma_start3A_106 = arith.constant 0 : i32
          %dma_start3A_107 = arith.constant 0 : i32
          %dma_start3A_108 = tpu.memref_slice %arg18[%dma_start3A_106, %dma_start3A_107] : memref<1000x128xf32, #tpu.memory_space<vmem_shared>> -> memref<1000x128xf32, #tpu.memory_space<vmem_shared>>
          tpu.enqueue_indirect_dma source(%arg10 : memref<128x128xf32, #tpu.memory_space<vmem>>) target(%dma_start3A_108 : memref<1000x128xf32, #tpu.memory_space<vmem_shared>>) offsets(%arg8 : memref<128xi32, #tpu.memory_space<vmem>>) semaphore(%run_scoped3A : memref<!tpu.dma_semaphore, #tpu.memory_space<semaphore_mem>>) {add = true}
          %dma_wait3A_109 = arith.constant 0 : i32
          %dma_wait3A_110 = arith.constant 0 : i32
          %dma_wait3A_111 = tpu.memref_slice %arg18[%dma_wait3A_109, %dma_wait3A_110] : memref<1000x128xf32, #tpu.memory_space<vmem_shared>> -> memref<1000x128xf32, #tpu.memory_space<vmem_shared>>
          tpu.wait_indirect_dma semaphore(%run_scoped3A : memref<!tpu.dma_semaphore, #tpu.memory_space<semaphore_mem>>) src(%arg10 : memref<128x128xf32, #tpu.memory_space<vmem>>) dst(%dma_wait3A_111 : memref<1000x128xf32, #tpu.memory_space<vmem_shared>>)
          tpu.yield
        }) : () -> ()
        "tpu.region"() ({
          %run_scoped3A = tpu.sem_alloc : memref<!tpu.dma_semaphore, #tpu.memory_space<semaphore_mem>>
          %dma_start3A_106 = arith.constant 0 : i32
          %dma_start3A_107 = arith.constant 0 : i32
          %dma_start3A_108 = tpu.memref_slice %arg19[%dma_start3A_106, %dma_start3A_107] : memref<1000x128xf32, #tpu.memory_space<vmem_shared>> -> memref<1000x128xf32, #tpu.memory_space<vmem_shared>>
          tpu.enqueue_indirect_dma source(%arg12 : memref<128x128xf32, #tpu.memory_space<vmem>>) target(%dma_start3A_108 : memref<1000x128xf32, #tpu.memory_space<vmem_shared>>) offsets(%arg8 : memref<128xi32, #tpu.memory_space<vmem>>) semaphore(%run_scoped3A : memref<!tpu.dma_semaphore, #tpu.memory_space<semaphore_mem>>) {add = true}
          %dma_wait3A_109 = arith.constant 0 : i32
          %dma_wait3A_110 = arith.constant 0 : i32
          %dma_wait3A_111 = tpu.memref_slice %arg19[%dma_wait3A_109, %dma_wait3A_110] : memref<1000x128xf32, #tpu.memory_space<vmem_shared>> -> memref<1000x128xf32, #tpu.memory_space<vmem_shared>>
          tpu.wait_indirect_dma semaphore(%run_scoped3A : memref<!tpu.dma_semaphore, #tpu.memory_space<semaphore_mem>>) src(%arg12 : memref<128x128xf32, #tpu.memory_space<vmem>>) dst(%dma_wait3A_111 : memref<1000x128xf32, #tpu.memory_space<vmem_shared>>)
          tpu.yield
        }) : () -> ()
        %add3A_100 = arith.constant 2 : i32
        %add3A_101 = arith.addi %add3A_75, %add3A_100 : i32
        %lt3A_102 = arith.cmpi slt, %add3A_101, %select_n3A : i32
        %convert_element_type3A_103 = arith.extui %lt3A_102 : i1 to i32
        %cond3A_104 = arith.constant 0 : i32
        %cond3A_105 = arith.cmpi ne, %convert_element_type3A_103, %cond3A_104 : i32
        scf.if %cond3A_105 {
          %add3A_106 = arith.constant 2 : i32
          %add3A_107 = arith.addi %add3A_75, %add3A_106 : i32
          %mul3A_108 = arith.constant 32 : i32
          %mul3A_109 = arith.muli %mul3A_108, %add3A_107 : i32
          %add3A_110 = arith.addi %add3A, %mul3A_109 : i32
          %mul3A_111 = arith.constant 128 : i32
          %mul3A_112 = arith.muli %add3A_110, %mul3A_111 : i32
          %multiple_of3A_113 = tpu.assume_multiple %mul3A_112, 128 : i32
          %dma_start3A_114 = tpu.memref_slice %arg3[%multiple_of3A_113] : memref<100000xi32, #tpu.memory_space<hbm>> -> memref<128xi32, #tpu.memory_space<hbm>>
          %dma_start3A_115 = tpu.memref_slice %arg3[%multiple_of3A_113] : memref<100000xi32, #tpu.memory_space<hbm>> -> memref<128xi32, #tpu.memory_space<hbm>>
          tpu.enqueue_dma source(%dma_start3A_115 : memref<128xi32, #tpu.memory_space<hbm>>) target(%arg8 : memref<128xi32, #tpu.memory_space<vmem>>) target_semaphore(%arg20 : memref<!tpu.dma_semaphore, #tpu.memory_space<semaphore_mem>>)
          %dma_start3A_116 = arith.constant 0 : i32
          %dma_start3A_117 = tpu.memref_slice %arg2[%multiple_of3A_113, %dma_start3A_116] : memref<100000x128xf32, #tpu.memory_space<hbm>> -> memref<128x128xf32, #tpu.memory_space<hbm>>
          %dma_start3A_118 = arith.constant 0 : i32
          %dma_start3A_119 = tpu.memref_slice %arg2[%multiple_of3A_113, %dma_start3A_118] : memref<100000x128xf32, #tpu.memory_space<hbm>> -> memref<128x128xf32, #tpu.memory_space<hbm>>
          tpu.enqueue_dma source(%dma_start3A_119 : memref<128x128xf32, #tpu.memory_space<hbm>>) target(%arg10 : memref<128x128xf32, #tpu.memory_space<vmem>>) target_semaphore(%arg20 : memref<!tpu.dma_semaphore, #tpu.memory_space<semaphore_mem>>)
        } else {
        }
      } else {
      }
      %mul3A_80 = arith.constant 2 : i32
      %mul3A_81 = arith.muli %mul3A_80, %scan3A_71 : i32
      %add3A_82 = arith.constant 1 : i32
      %add3A_83 = arith.addi %mul3A_81, %add3A_82 : i32
      %lt3A_84 = arith.cmpi slt, %add3A_83, %select_n3A : i32
      %convert_element_type3A_85 = arith.extui %lt3A_84 : i1 to i32
      %cond3A_86 = arith.constant 0 : i32
      %cond3A_87 = arith.cmpi ne, %convert_element_type3A_85, %cond3A_86 : i32
      scf.if %cond3A_87 {
        %mul3A_88 = arith.constant 32 : i32
        %mul3A_89 = arith.muli %mul3A_88, %add3A_83 : i32
        %add3A_90 = arith.addi %add3A, %mul3A_89 : i32
        %mul3A_91 = arith.constant 128 : i32
        %mul3A_92 = arith.muli %add3A_90, %mul3A_91 : i32
        %multiple_of3A_93 = tpu.assume_multiple %mul3A_92, 128 : i32
        %dma_wait3A_94 = tpu.memref_slice %arg3[%multiple_of3A_93] : memref<100000xi32, #tpu.memory_space<hbm>> -> memref<128xi32, #tpu.memory_space<hbm>>
        %dma_wait3A_95 = tpu.memref_slice %arg3[%multiple_of3A_93] : memref<100000xi32, #tpu.memory_space<hbm>> -> memref<128xi32, #tpu.memory_space<hbm>>
        tpu.wait_dma2 semaphore(%arg21 : memref<!tpu.dma_semaphore, #tpu.memory_space<semaphore_mem>>) src(%dma_wait3A_95 : memref<128xi32, #tpu.memory_space<hbm>>) dst(%arg9 : memref<128xi32, #tpu.memory_space<vmem>>)
        %dma_wait3A_96 = arith.constant 0 : i32
        %dma_wait3A_97 = tpu.memref_slice %arg2[%multiple_of3A_93, %dma_wait3A_96] : memref<100000x128xf32, #tpu.memory_space<hbm>> -> memref<128x128xf32, #tpu.memory_space<hbm>>
        %dma_wait3A_98 = arith.constant 0 : i32
        %dma_wait3A_99 = tpu.memref_slice %arg2[%multiple_of3A_93, %dma_wait3A_98] : memref<100000x128xf32, #tpu.memory_space<hbm>> -> memref<128x128xf32, #tpu.memory_space<hbm>>
        tpu.wait_dma2 semaphore(%arg21 : memref<!tpu.dma_semaphore, #tpu.memory_space<semaphore_mem>>) src(%dma_wait3A_99 : memref<128x128xf32, #tpu.memory_space<hbm>>) dst(%arg11 : memref<128x128xf32, #tpu.memory_space<vmem>>)
        "tpu.region"() ({
          %run_scoped3A = tpu.sem_alloc : memref<!tpu.dma_semaphore, #tpu.memory_space<semaphore_mem>>
          %dma_start3A_106 = arith.constant 0 : i32
          %dma_start3A_107 = arith.constant 0 : i32
          %dma_start3A_108 = tpu.memref_slice %arg18[%dma_start3A_106, %dma_start3A_107] : memref<1000x128xf32, #tpu.memory_space<vmem_shared>> -> memref<1000x128xf32, #tpu.memory_space<vmem_shared>>
          tpu.enqueue_indirect_dma source(%arg11 : memref<128x128xf32, #tpu.memory_space<vmem>>) target(%dma_start3A_108 : memref<1000x128xf32, #tpu.memory_space<vmem_shared>>) offsets(%arg9 : memref<128xi32, #tpu.memory_space<vmem>>) semaphore(%run_scoped3A : memref<!tpu.dma_semaphore, #tpu.memory_space<semaphore_mem>>) {add = true}
          %dma_wait3A_109 = arith.constant 0 : i32
          %dma_wait3A_110 = arith.constant 0 : i32
          %dma_wait3A_111 = tpu.memref_slice %arg18[%dma_wait3A_109, %dma_wait3A_110] : memref<1000x128xf32, #tpu.memory_space<vmem_shared>> -> memref<1000x128xf32, #tpu.memory_space<vmem_shared>>
          tpu.wait_indirect_dma semaphore(%run_scoped3A : memref<!tpu.dma_semaphore, #tpu.memory_space<semaphore_mem>>) src(%arg11 : memref<128x128xf32, #tpu.memory_space<vmem>>) dst(%dma_wait3A_111 : memref<1000x128xf32, #tpu.memory_space<vmem_shared>>)
          tpu.yield
        }) : () -> ()
        "tpu.region"() ({
          %run_scoped3A = tpu.sem_alloc : memref<!tpu.dma_semaphore, #tpu.memory_space<semaphore_mem>>
          %dma_start3A_106 = arith.constant 0 : i32
          %dma_start3A_107 = arith.constant 0 : i32
          %dma_start3A_108 = tpu.memref_slice %arg19[%dma_start3A_106, %dma_start3A_107] : memref<1000x128xf32, #tpu.memory_space<vmem_shared>> -> memref<1000x128xf32, #tpu.memory_space<vmem_shared>>
          tpu.enqueue_indirect_dma source(%arg12 : memref<128x128xf32, #tpu.memory_space<vmem>>) target(%dma_start3A_108 : memref<1000x128xf32, #tpu.memory_space<vmem_shared>>) offsets(%arg9 : memref<128xi32, #tpu.memory_space<vmem>>) semaphore(%run_scoped3A : memref<!tpu.dma_semaphore, #tpu.memory_space<semaphore_mem>>) {add = true}
          %dma_wait3A_109 = arith.constant 0 : i32
          %dma_wait3A_110 = arith.constant 0 : i32
          %dma_wait3A_111 = tpu.memref_slice %arg19[%dma_wait3A_109, %dma_wait3A_110] : memref<1000x128xf32, #tpu.memory_space<vmem_shared>> -> memref<1000x128xf32, #tpu.memory_space<vmem_shared>>
          tpu.wait_indirect_dma semaphore(%run_scoped3A : memref<!tpu.dma_semaphore, #tpu.memory_space<semaphore_mem>>) src(%arg12 : memref<128x128xf32, #tpu.memory_space<vmem>>) dst(%dma_wait3A_111 : memref<1000x128xf32, #tpu.memory_space<vmem_shared>>)
          tpu.yield
        }) : () -> ()
        %add3A_100 = arith.constant 2 : i32
        %add3A_101 = arith.addi %add3A_83, %add3A_100 : i32
        %lt3A_102 = arith.cmpi slt, %add3A_101, %select_n3A : i32
        %convert_element_type3A_103 = arith.extui %lt3A_102 : i1 to i32
        %cond3A_104 = arith.constant 0 : i32
        %cond3A_105 = arith.cmpi ne, %convert_element_type3A_103, %cond3A_104 : i32
        scf.if %cond3A_105 {
          %add3A_106 = arith.constant 2 : i32
          %add3A_107 = arith.addi %add3A_83, %add3A_106 : i32
          %mul3A_108 = arith.constant 32 : i32
          %mul3A_109 = arith.muli %mul3A_108, %add3A_107 : i32
          %add3A_110 = arith.addi %add3A, %mul3A_109 : i32
          %mul3A_111 = arith.constant 128 : i32
          %mul3A_112 = arith.muli %add3A_110, %mul3A_111 : i32
          %multiple_of3A_113 = tpu.assume_multiple %mul3A_112, 128 : i32
          %dma_start3A_114 = tpu.memref_slice %arg3[%multiple_of3A_113] : memref<100000xi32, #tpu.memory_space<hbm>> -> memref<128xi32, #tpu.memory_space<hbm>>
          %dma_start3A_115 = tpu.memref_slice %arg3[%multiple_of3A_113] : memref<100000xi32, #tpu.memory_space<hbm>> -> memref<128xi32, #tpu.memory_space<hbm>>
          tpu.enqueue_dma source(%dma_start3A_115 : memref<128xi32, #tpu.memory_space<hbm>>) target(%arg9 : memref<128xi32, #tpu.memory_space<vmem>>) target_semaphore(%arg21 : memref<!tpu.dma_semaphore, #tpu.memory_space<semaphore_mem>>)
          %dma_start3A_116 = arith.constant 0 : i32
          %dma_start3A_117 = tpu.memref_slice %arg2[%multiple_of3A_113, %dma_start3A_116] : memref<100000x128xf32, #tpu.memory_space<hbm>> -> memref<128x128xf32, #tpu.memory_space<hbm>>
          %dma_start3A_118 = arith.constant 0 : i32
          %dma_start3A_119 = tpu.memref_slice %arg2[%multiple_of3A_113, %dma_start3A_118] : memref<100000x128xf32, #tpu.memory_space<hbm>> -> memref<128x128xf32, #tpu.memory_space<hbm>>
          tpu.enqueue_dma source(%dma_start3A_119 : memref<128x128xf32, #tpu.memory_space<hbm>>) target(%arg11 : memref<128x128xf32, #tpu.memory_space<vmem>>) target_semaphore(%arg21 : memref<!tpu.dma_semaphore, #tpu.memory_space<semaphore_mem>>)
        } else {
        }
      } else {
      }
    }
    %scan3A_54 = arith.constant 13 : i32
    %eq3A_55 = arith.constant 31 : i32
    %eq3A_56 = arith.cmpi eq, %add3A, %eq3A_55 : i32
    %convert_element_type3A_57 = arith.extui %eq3A_56 : i1 to i32
    %cond3A_58 = arith.constant 0 : i32
    %cond3A_59 = arith.cmpi ne, %convert_element_type3A_57, %cond3A_58 : i32
    scf.if %cond3A_59 {
      "tpu.region"() ({
        %run_scoped3A = tpu.sem_alloc : memref<!tpu.dma_semaphore, #tpu.memory_space<semaphore_mem>>
        %dma_start3A_71 = arith.constant 99968 : i32
        %dma_start3A_72 = tpu.memref_slice %arg3[%dma_start3A_71] : memref<100000xi32, #tpu.memory_space<hbm>> -> memref<32xi32, #tpu.memory_space<hbm>>
        %dma_start3A_73 = arith.constant 99968 : i32
        %dma_start3A_74 = tpu.memref_slice %arg3[%dma_start3A_73] : memref<100000xi32, #tpu.memory_space<hbm>> -> memref<32xi32, #tpu.memory_space<hbm>>
        tpu.enqueue_dma source(%dma_start3A_74 : memref<32xi32, #tpu.memory_space<hbm>>) target(%arg14 : memref<32xi32, #tpu.memory_space<vmem>>) target_semaphore(%run_scoped3A : memref<!tpu.dma_semaphore, #tpu.memory_space<semaphore_mem>>)
        %dma_wait3A_75 = arith.constant 99968 : i32
        %dma_wait3A_76 = tpu.memref_slice %arg3[%dma_wait3A_75] : memref<100000xi32, #tpu.memory_space<hbm>> -> memref<32xi32, #tpu.memory_space<hbm>>
        %dma_wait3A_77 = arith.constant 99968 : i32
        %dma_wait3A_78 = tpu.memref_slice %arg3[%dma_wait3A_77] : memref<100000xi32, #tpu.memory_space<hbm>> -> memref<32xi32, #tpu.memory_space<hbm>>
        tpu.wait_dma2 semaphore(%run_scoped3A : memref<!tpu.dma_semaphore, #tpu.memory_space<semaphore_mem>>) src(%dma_wait3A_78 : memref<32xi32, #tpu.memory_space<hbm>>) dst(%arg14 : memref<32xi32, #tpu.memory_space<vmem>>)
        tpu.yield
      }) : () -> ()
      "tpu.region"() ({
        %run_scoped3A = tpu.sem_alloc : memref<!tpu.dma_semaphore, #tpu.memory_space<semaphore_mem>>
        %dma_start3A_71 = arith.constant 99968 : i32
        %dma_start3A_72 = arith.constant 0 : i32
        %dma_start3A_73 = tpu.memref_slice %arg2[%dma_start3A_71, %dma_start3A_72] : memref<100000x128xf32, #tpu.memory_space<hbm>> -> memref<32x128xf32, #tpu.memory_space<hbm>>
        %dma_start3A_74 = arith.constant 99968 : i32
        %dma_start3A_75 = arith.constant 0 : i32
        %dma_start3A_76 = tpu.memref_slice %arg2[%dma_start3A_74, %dma_start3A_75] : memref<100000x128xf32, #tpu.memory_space<hbm>> -> memref<32x128xf32, #tpu.memory_space<hbm>>
        tpu.enqueue_dma source(%dma_start3A_76 : memref<32x128xf32, #tpu.memory_space<hbm>>) target(%arg15 : memref<32x128xf32, #tpu.memory_space<vmem>>) target_semaphore(%run_scoped3A : memref<!tpu.dma_semaphore, #tpu.memory_space<semaphore_mem>>)
        %dma_wait3A_77 = arith.constant 99968 : i32
        %dma_wait3A_78 = arith.constant 0 : i32
        %dma_wait3A_79 = tpu.memref_slice %arg2[%dma_wait3A_77, %dma_wait3A_78] : memref<100000x128xf32, #tpu.memory_space<hbm>> -> memref<32x128xf32, #tpu.memory_space<hbm>>
        %dma_wait3A_80 = arith.constant 99968 : i32
        %dma_wait3A_81 = arith.constant 0 : i32
        %dma_wait3A_82 = tpu.memref_slice %arg2[%dma_wait3A_80, %dma_wait3A_81] : memref<100000x128xf32, #tpu.memory_space<hbm>> -> memref<32x128xf32, #tpu.memory_space<hbm>>
        tpu.wait_dma2 semaphore(%run_scoped3A : memref<!tpu.dma_semaphore, #tpu.memory_space<semaphore_mem>>) src(%dma_wait3A_82 : memref<32x128xf32, #tpu.memory_space<hbm>>) dst(%arg15 : memref<32x128xf32, #tpu.memory_space<vmem>>)
        tpu.yield
      }) : () -> ()
      "tpu.region"() ({
        %run_scoped3A = tpu.sem_alloc : memref<!tpu.dma_semaphore, #tpu.memory_space<semaphore_mem>>
        %dma_start3A_71 = arith.constant 0 : i32
        %dma_start3A_72 = arith.constant 0 : i32
        %dma_start3A_73 = tpu.memref_slice %arg18[%dma_start3A_71, %dma_start3A_72] : memref<1000x128xf32, #tpu.memory_space<vmem_shared>> -> memref<1000x128xf32, #tpu.memory_space<vmem_shared>>
        tpu.enqueue_indirect_dma source(%arg15 : memref<32x128xf32, #tpu.memory_space<vmem>>) target(%dma_start3A_73 : memref<1000x128xf32, #tpu.memory_space<vmem_shared>>) offsets(%arg14 : memref<32xi32, #tpu.memory_space<vmem>>) semaphore(%run_scoped3A : memref<!tpu.dma_semaphore, #tpu.memory_space<semaphore_mem>>) {add = true}
        %dma_wait3A_74 = arith.constant 0 : i32
        %dma_wait3A_75 = arith.constant 0 : i32
        %dma_wait3A_76 = tpu.memref_slice %arg18[%dma_wait3A_74, %dma_wait3A_75] : memref<1000x128xf32, #tpu.memory_space<vmem_shared>> -> memref<1000x128xf32, #tpu.memory_space<vmem_shared>>
        tpu.wait_indirect_dma semaphore(%run_scoped3A : memref<!tpu.dma_semaphore, #tpu.memory_space<semaphore_mem>>) src(%arg15 : memref<32x128xf32, #tpu.memory_space<vmem>>) dst(%dma_wait3A_76 : memref<1000x128xf32, #tpu.memory_space<vmem_shared>>)
        tpu.yield
      }) : () -> ()
      "tpu.region"() ({
        %run_scoped3A = tpu.sem_alloc : memref<!tpu.dma_semaphore, #tpu.memory_space<semaphore_mem>>
        %dma_start3A_71 = arith.constant 0 : i32
        %dma_start3A_72 = arith.constant 0 : i32
        %dma_start3A_73 = tpu.memref_slice %arg12[%dma_start3A_71, %dma_start3A_72] : memref<128x128xf32, #tpu.memory_space<vmem>> -> memref<32x128xf32, #tpu.memory_space<vmem>>
        %dma_start3A_74 = arith.constant 0 : i32
        %dma_start3A_75 = arith.constant 0 : i32
        %dma_start3A_76 = tpu.memref_slice %arg19[%dma_start3A_74, %dma_start3A_75] : memref<1000x128xf32, #tpu.memory_space<vmem_shared>> -> memref<1000x128xf32, #tpu.memory_space<vmem_shared>>
        tpu.enqueue_indirect_dma source(%dma_start3A_73 : memref<32x128xf32, #tpu.memory_space<vmem>>) target(%dma_start3A_76 : memref<1000x128xf32, #tpu.memory_space<vmem_shared>>) offsets(%arg14 : memref<32xi32, #tpu.memory_space<vmem>>) semaphore(%run_scoped3A : memref<!tpu.dma_semaphore, #tpu.memory_space<semaphore_mem>>) {add = true}
        %dma_wait3A_77 = arith.constant 0 : i32
        %dma_wait3A_78 = arith.constant 0 : i32
        %dma_wait3A_79 = tpu.memref_slice %arg12[%dma_wait3A_77, %dma_wait3A_78] : memref<128x128xf32, #tpu.memory_space<vmem>> -> memref<32x128xf32, #tpu.memory_space<vmem>>
        %dma_wait3A_80 = arith.constant 0 : i32
        %dma_wait3A_81 = arith.constant 0 : i32
        %dma_wait3A_82 = tpu.memref_slice %arg19[%dma_wait3A_80, %dma_wait3A_81] : memref<1000x128xf32, #tpu.memory_space<vmem_shared>> -> memref<1000x128xf32, #tpu.memory_space<vmem_shared>>
        tpu.wait_indirect_dma semaphore(%run_scoped3A : memref<!tpu.dma_semaphore, #tpu.memory_space<semaphore_mem>>) src(%dma_wait3A_79 : memref<32x128xf32, #tpu.memory_space<vmem>>) dst(%dma_wait3A_82 : memref<1000x128xf32, #tpu.memory_space<vmem_shared>>)
        tpu.yield
      }) : () -> ()
    } else {
    }
    %barrier3A_60 = arith.constant 0 : index
    tpu.barrier barrier_id(%barrier3A_60)
    %lt3A_61 = arith.constant 15 : i32
    %lt3A_62 = arith.cmpi slt, %arg1, %lt3A_61 : i32
    %convert_element_type3A_63 = arith.extui %lt3A_62 : i1 to i32
    %cond3A_64 = arith.constant 0 : i32
    %cond3A_65 = arith.cmpi ne, %convert_element_type3A_63, %cond3A_64 : i32
    scf.if %cond3A_65 {
      "tpu.region"() ({
        %run_scoped3A = tpu.sem_alloc : memref<!tpu.dma_semaphore, #tpu.memory_space<semaphore_mem>>
        %dma_start3A_71 = arith.constant 0 : i32
        %dma_start3A_72 = tpu.memref_slice %arg5[%arg0, %mul3A_41, %dma_start3A_71] : memref<2x1000x128xf32, #tpu.memory_space<hbm>> -> memref<1x64x128xf32, #tpu.memory_space<hbm>>
        %dma_start3A_73 = tpu.memref_squeeze %dma_start3A_72 : memref<1x64x128xf32, #tpu.memory_space<hbm>> -> memref<64x128xf32, #tpu.memory_space<hbm>>
        %dma_start3A_74 = arith.constant 0 : i32
        %dma_start3A_75 = tpu.memref_slice %arg18[%mul3A_41, %dma_start3A_74] : memref<1000x128xf32, #tpu.memory_space<vmem_shared>> -> memref<64x128xf32, #tpu.memory_space<vmem_shared>>
        tpu.enqueue_dma source(%dma_start3A_75 : memref<64x128xf32, #tpu.memory_space<vmem_shared>>) target(%dma_start3A_73 : memref<64x128xf32, #tpu.memory_space<hbm>>) target_semaphore(%run_scoped3A : memref<!tpu.dma_semaphore, #tpu.memory_space<semaphore_mem>>)
        %dma_wait3A_76 = arith.constant 0 : i32
        %dma_wait3A_77 = tpu.memref_slice %arg5[%arg0, %mul3A_41, %dma_wait3A_76] : memref<2x1000x128xf32, #tpu.memory_space<hbm>> -> memref<1x64x128xf32, #tpu.memory_space<hbm>>
        %dma_wait3A_78 = tpu.memref_squeeze %dma_wait3A_77 : memref<1x64x128xf32, #tpu.memory_space<hbm>> -> memref<64x128xf32, #tpu.memory_space<hbm>>
        %dma_wait3A_79 = arith.constant 0 : i32
        %dma_wait3A_80 = tpu.memref_slice %arg18[%mul3A_41, %dma_wait3A_79] : memref<1000x128xf32, #tpu.memory_space<vmem_shared>> -> memref<64x128xf32, #tpu.memory_space<vmem_shared>>
        tpu.wait_dma2 semaphore(%run_scoped3A : memref<!tpu.dma_semaphore, #tpu.memory_space<semaphore_mem>>) src(%dma_wait3A_80 : memref<64x128xf32, #tpu.memory_space<vmem_shared>>) dst(%dma_wait3A_78 : memref<64x128xf32, #tpu.memory_space<hbm>>)
        tpu.yield
      }) : () -> ()
      "tpu.region"() ({
        %run_scoped3A = tpu.sem_alloc : memref<!tpu.dma_semaphore, #tpu.memory_space<semaphore_mem>>
        %dma_start3A_71 = arith.constant 0 : i32
        %dma_start3A_72 = tpu.memref_slice %arg6[%arg0, %mul3A_41, %dma_start3A_71] : memref<2x1000x128xf32, #tpu.memory_space<hbm>> -> memref<1x64x128xf32, #tpu.memory_space<hbm>>
        %dma_start3A_73 = tpu.memref_squeeze %dma_start3A_72 : memref<1x64x128xf32, #tpu.memory_space<hbm>> -> memref<64x128xf32, #tpu.memory_space<hbm>>
        %dma_start3A_74 = arith.constant 0 : i32
        %dma_start3A_75 = tpu.memref_slice %arg19[%mul3A_41, %dma_start3A_74] : memref<1000x128xf32, #tpu.memory_space<vmem_shared>> -> memref<64x128xf32, #tpu.memory_space<vmem_shared>>
        tpu.enqueue_dma source(%dma_start3A_75 : memref<64x128xf32, #tpu.memory_space<vmem_shared>>) target(%dma_start3A_73 : memref<64x128xf32, #tpu.memory_space<hbm>>) target_semaphore(%run_scoped3A : memref<!tpu.dma_semaphore, #tpu.memory_space<semaphore_mem>>)
        %dma_wait3A_76 = arith.constant 0 : i32
        %dma_wait3A_77 = tpu.memref_slice %arg6[%arg0, %mul3A_41, %dma_wait3A_76] : memref<2x1000x128xf32, #tpu.memory_space<hbm>> -> memref<1x64x128xf32, #tpu.memory_space<hbm>>
        %dma_wait3A_78 = tpu.memref_squeeze %dma_wait3A_77 : memref<1x64x128xf32, #tpu.memory_space<hbm>> -> memref<64x128xf32, #tpu.memory_space<hbm>>
        %dma_wait3A_79 = arith.constant 0 : i32
        %dma_wait3A_80 = tpu.memref_slice %arg19[%mul3A_41, %dma_wait3A_79] : memref<1000x128xf32, #tpu.memory_space<vmem_shared>> -> memref<64x128xf32, #tpu.memory_space<vmem_shared>>
        tpu.wait_dma2 semaphore(%run_scoped3A : memref<!tpu.dma_semaphore, #tpu.memory_space<semaphore_mem>>) src(%dma_wait3A_80 : memref<64x128xf32, #tpu.memory_space<vmem_shared>>) dst(%dma_wait3A_78 : memref<64x128xf32, #tpu.memory_space<hbm>>)
        tpu.yield
      }) : () -> ()
    } else {
    }
    %eq3A_66 = arith.constant 15 : i32
    %eq3A_67 = arith.cmpi eq, %arg1, %eq3A_66 : i32
    %convert_element_type3A_68 = arith.extui %eq3A_67 : i1 to i32
    %cond3A_69 = arith.constant 0 : i32
    %cond3A_70 = arith.cmpi ne, %convert_element_type3A_68, %cond3A_69 : i32
    scf.if %cond3A_70 {
      "tpu.region"() ({
        %run_scoped3A = tpu.sem_alloc : memref<!tpu.dma_semaphore, #tpu.memory_space<semaphore_mem>>
        %dma_start3A_71 = arith.constant 960 : i32
        %dma_start3A_72 = arith.constant 0 : i32
        %dma_start3A_73 = tpu.memref_slice %arg5[%arg0, %dma_start3A_71, %dma_start3A_72] : memref<2x1000x128xf32, #tpu.memory_space<hbm>> -> memref<1x40x128xf32, #tpu.memory_space<hbm>>
        %dma_start3A_74 = tpu.memref_squeeze %dma_start3A_73 : memref<1x40x128xf32, #tpu.memory_space<hbm>> -> memref<40x128xf32, #tpu.memory_space<hbm>>
        %dma_start3A_75 = arith.constant 960 : i32
        %dma_start3A_76 = arith.constant 0 : i32
        %dma_start3A_77 = tpu.memref_slice %arg18[%dma_start3A_75, %dma_start3A_76] : memref<1000x128xf32, #tpu.memory_space<vmem_shared>> -> memref<40x128xf32, #tpu.memory_space<vmem_shared>>
        tpu.enqueue_dma source(%dma_start3A_77 : memref<40x128xf32, #tpu.memory_space<vmem_shared>>) target(%dma_start3A_74 : memref<40x128xf32, #tpu.memory_space<hbm>>) target_semaphore(%run_scoped3A : memref<!tpu.dma_semaphore, #tpu.memory_space<semaphore_mem>>)
        %dma_wait3A_78 = arith.constant 960 : i32
        %dma_wait3A_79 = arith.constant 0 : i32
        %dma_wait3A_80 = tpu.memref_slice %arg5[%arg0, %dma_wait3A_78, %dma_wait3A_79] : memref<2x1000x128xf32, #tpu.memory_space<hbm>> -> memref<1x40x128xf32, #tpu.memory_space<hbm>>
        %dma_wait3A_81 = tpu.memref_squeeze %dma_wait3A_80 : memref<1x40x128xf32, #tpu.memory_space<hbm>> -> memref<40x128xf32, #tpu.memory_space<hbm>>
        %dma_wait3A_82 = arith.constant 960 : i32
        %dma_wait3A_83 = arith.constant 0 : i32
        %dma_wait3A_84 = tpu.memref_slice %arg18[%dma_wait3A_82, %dma_wait3A_83] : memref<1000x128xf32, #tpu.memory_space<vmem_shared>> -> memref<40x128xf32, #tpu.memory_space<vmem_shared>>
        tpu.wait_dma2 semaphore(%run_scoped3A : memref<!tpu.dma_semaphore, #tpu.memory_space<semaphore_mem>>) src(%dma_wait3A_84 : memref<40x128xf32, #tpu.memory_space<vmem_shared>>) dst(%dma_wait3A_81 : memref<40x128xf32, #tpu.memory_space<hbm>>)
        tpu.yield
      }) : () -> ()
      "tpu.region"() ({
        %run_scoped3A = tpu.sem_alloc : memref<!tpu.dma_semaphore, #tpu.memory_space<semaphore_mem>>
        %dma_start3A_71 = arith.constant 960 : i32
        %dma_start3A_72 = arith.constant 0 : i32
        %dma_start3A_73 = tpu.memref_slice %arg6[%arg0, %dma_start3A_71, %dma_start3A_72] : memref<2x1000x128xf32, #tpu.memory_space<hbm>> -> memref<1x40x128xf32, #tpu.memory_space<hbm>>
        %dma_start3A_74 = tpu.memref_squeeze %dma_start3A_73 : memref<1x40x128xf32, #tpu.memory_space<hbm>> -> memref<40x128xf32, #tpu.memory_space<hbm>>
        %dma_start3A_75 = arith.constant 960 : i32
        %dma_start3A_76 = arith.constant 0 : i32
        %dma_start3A_77 = tpu.memref_slice %arg19[%dma_start3A_75, %dma_start3A_76] : memref<1000x128xf32, #tpu.memory_space<vmem_shared>> -> memref<40x128xf32, #tpu.memory_space<vmem_shared>>
        tpu.enqueue_dma source(%dma_start3A_77 : memref<40x128xf32, #tpu.memory_space<vmem_shared>>) target(%dma_start3A_74 : memref<40x128xf32, #tpu.memory_space<hbm>>) target_semaphore(%run_scoped3A : memref<!tpu.dma_semaphore, #tpu.memory_space<semaphore_mem>>)
        %dma_wait3A_78 = arith.constant 960 : i32
        %dma_wait3A_79 = arith.constant 0 : i32
        %dma_wait3A_80 = tpu.memref_slice %arg6[%arg0, %dma_wait3A_78, %dma_wait3A_79] : memref<2x1000x128xf32, #tpu.memory_space<hbm>> -> memref<1x40x128xf32, #tpu.memory_space<hbm>>
        %dma_wait3A_81 = tpu.memref_squeeze %dma_wait3A_80 : memref<1x40x128xf32, #tpu.memory_space<hbm>> -> memref<40x128xf32, #tpu.memory_space<hbm>>
        %dma_wait3A_82 = arith.constant 960 : i32
        %dma_wait3A_83 = arith.constant 0 : i32
        %dma_wait3A_84 = tpu.memref_slice %arg19[%dma_wait3A_82, %dma_wait3A_83] : memref<1000x128xf32, #tpu.memory_space<vmem_shared>> -> memref<40x128xf32, #tpu.memory_space<vmem_shared>>
        tpu.wait_dma2 semaphore(%run_scoped3A : memref<!tpu.dma_semaphore, #tpu.memory_space<semaphore_mem>>) src(%dma_wait3A_84 : memref<40x128xf32, #tpu.memory_space<vmem_shared>>) dst(%dma_wait3A_81 : memref<40x128xf32, #tpu.memory_space<hbm>>)
        tpu.yield
      }) : () -> ()
    } else {
    }
    return
  }
}

module attributes {stable_mosaic.version = 14 : i64} {
  func.func @_tc_body(%arg0: memref<1024x128xf32, #tpu.memory_space<vmem>>, %arg1: memref<2x1000x128xf32, #tpu.memory_space<vmem>>, %arg2: memref<2x1000x128xf32, #tpu.memory_space<vmem>>, %arg3: memref<1024x1xi32, #tpu.memory_space<vmem>>, %arg4: memref<1x1xf32, #tpu.memory_space<smem>>) attributes {dimension_semantics = [], scalar_prefetch = 0 : i64, scratch_operands = 0 : i64, tpu.core_type = #tpu.core_type<tc>} {
    %get3A = arith.constant 0 : index
    %get3A_0 = arith.constant 0 : index
    %get3A_1 = vector.load %arg0[%get3A, %get3A_0] : memref<1024x128xf32, #tpu.memory_space<vmem>>, vector<1024x128xf32>
    %mul3A = arith.mulf %get3A_1, %get3A_1 : vector<1024x128xf32>
    %reduce_sum3A = arith.constant dense<0.000000e+00> : vector<1024xf32>
    %reduce_sum3A_2 = vector.multi_reduction <add>, %mul3A, %reduce_sum3A [1] : vector<1024x128xf32> to vector<1024xf32>
    %broadcast_in_dim3A = vector.shape_cast %reduce_sum3A_2 : vector<1024xf32> to vector<1024x1xf32>
    %sqrt3A = math.sqrt %broadcast_in_dim3A : vector<1024x1xf32>
    %max3A = arith.constant 9.99999996E-13 : f32
    %max3A_3 = vector.broadcast %max3A : f32 to vector<1024x1xf32>
    %max3A_4 = arith.maximumf %sqrt3A, %max3A_3 : vector<1024x1xf32>
    %div3A = vector.broadcast %max3A_4 : vector<1024x1xf32> to vector<1024x128xf32>
    %div3A_5 = arith.divf %get3A_1, %div3A : vector<1024x128xf32>
    %get3A_6 = arith.constant 0 : index
    %get3A_7 = arith.constant 0 : index
    %get3A_8 = arith.constant 0 : index
    %get3A_9 = vector.load %arg1[%get3A_6, %get3A_7, %get3A_8] : memref<2x1000x128xf32, #tpu.memory_space<vmem>>, vector<1x1000x128xf32>
    %get3A_10 = vector.shape_cast %get3A_9 : vector<1x1000x128xf32> to vector<1000x128xf32>
    %get3A_11 = arith.constant 1 : index
    %get3A_12 = arith.constant 0 : index
    %get3A_13 = arith.constant 0 : index
    %get3A_14 = vector.load %arg1[%get3A_11, %get3A_12, %get3A_13] : memref<2x1000x128xf32, #tpu.memory_space<vmem>>, vector<1x1000x128xf32>
    %get3A_15 = vector.shape_cast %get3A_14 : vector<1x1000x128xf32> to vector<1000x128xf32>
    %add3A = arith.addf %get3A_10, %get3A_15 : vector<1000x128xf32>
    %get3A_16 = arith.constant 0 : index
    %get3A_17 = arith.constant 0 : index
    %get3A_18 = arith.constant 0 : index
    %get3A_19 = vector.load %arg2[%get3A_16, %get3A_17, %get3A_18] : memref<2x1000x128xf32, #tpu.memory_space<vmem>>, vector<1x1000x128xf32>
    %get3A_20 = vector.shape_cast %get3A_19 : vector<1x1000x128xf32> to vector<1000x128xf32>
    %get3A_21 = arith.constant 1 : index
    %get3A_22 = arith.constant 0 : index
    %get3A_23 = arith.constant 0 : index
    %get3A_24 = vector.load %arg2[%get3A_21, %get3A_22, %get3A_23] : memref<2x1000x128xf32, #tpu.memory_space<vmem>>, vector<1x1000x128xf32>
    %get3A_25 = vector.shape_cast %get3A_24 : vector<1x1000x128xf32> to vector<1000x128xf32>
    %add3A_26 = arith.addf %get3A_20, %get3A_25 : vector<1000x128xf32>
    %reduce_max3A = arith.constant dense<0xFF800000> : vector<1000xf32>
    %reduce_max3A_27 = vector.multi_reduction <maximumf>, %add3A_26, %reduce_max3A [1] : vector<1000x128xf32> to vector<1000xf32>
    %broadcast_in_dim3A_28 = vector.shape_cast %reduce_max3A_27 : vector<1000xf32> to vector<1000x1xf32>
    %max3A_29 = arith.constant 1.000000e+00 : f32
    %max3A_30 = vector.broadcast %max3A_29 : f32 to vector<1000x1xf32>
    %max3A_31 = arith.maximumf %broadcast_in_dim3A_28, %max3A_30 : vector<1000x1xf32>
    %mul3A_32 = arith.constant 5.000000e-02 : f32
    %mul3A_33 = vector.broadcast %mul3A_32 : f32 to vector<1000x1xf32>
    %mul3A_34 = arith.mulf %max3A_31, %mul3A_33 : vector<1000x1xf32>
    %div3A_35 = vector.broadcast %mul3A_34 : vector<1000x1xf32> to vector<1000x128xf32>
    %div3A_36 = arith.divf %add3A, %div3A_35 : vector<1000x128xf32>
    %dot_general3A = arith.constant dense<0.000000e+00> : vector<1024x1000xf32>
    %dot_general3A_37 = tpu.matmul %div3A_5, %div3A_36, %dot_general3A {dimension_numbers = #tpu.dot_dimension_numbers<[1], [1], [0], [0], [0, 0, 1, 0], [], []>, transpose_lhs_hint = false} : vector<1024x128xf32>, vector<1000x128xf32>, vector<1024x1000xf32> -> vector<1024x1000xf32>
    %exp3A = math.exp %dot_general3A_37 : vector<1024x1000xf32>
    %reduce_sum3A_38 = arith.constant dense<0.000000e+00> : vector<1024xf32>
    %reduce_sum3A_39 = vector.multi_reduction <add>, %exp3A, %reduce_sum3A_38 [1] : vector<1024x1000xf32> to vector<1024xf32>
    %broadcast_in_dim3A_40 = vector.shape_cast %reduce_sum3A_39 : vector<1024xf32> to vector<1024x1xf32>
    %eq3A = arith.constant 0.000000e+00 : f32
    %eq3A_41 = vector.broadcast %eq3A : f32 to vector<1000x1xf32>
    %eq3A_42 = arith.cmpf oeq, %broadcast_in_dim3A_28, %eq3A_41 : vector<1000x1xf32>
    %jit3A = arith.constant 1.000000e+00 : f32
    %jit3A_43 = arith.constant 0.000000e+00 : f32
    %broadcast_in_dim3A_44 = vector.broadcast %jit3A : f32 to vector<1000x1xf32>
    %broadcast_in_dim3A_45 = vector.broadcast %jit3A_43 : f32 to vector<1000x1xf32>
    %select_n3A = arith.select %eq3A_42, %broadcast_in_dim3A_44, %broadcast_in_dim3A_45 : vector<1000x1xi1>, vector<1000x1xf32>
    %reduce_sum3A_46 = vector.shape_cast %select_n3A : vector<1000x1xf32> to vector<1x1000x1xf32>
    %reduce_sum3A_47 = arith.constant dense<0.000000e+00> : vector<1xf32>
    %reduce_sum3A_48 = vector.multi_reduction <add>, %reduce_sum3A_46, %reduce_sum3A_47 [1, 2] : vector<1x1000x1xf32> to vector<1xf32>
    %reduce_sum3A_49 = vector.shape_cast %reduce_sum3A_48 : vector<1xf32> to vector<1x1x1xf32>
    %reduce_sum3A_50 = vector.extract %reduce_sum3A_49[0, 0, 0] : f32 from vector<1x1x1xf32>
    %sub3A = vector.broadcast %reduce_sum3A_50 : f32 to vector<1024x1xf32>
    %sub3A_51 = arith.subf %broadcast_in_dim3A_40, %sub3A : vector<1024x1xf32>
    %add3A_52 = arith.constant 9.99999997E-7 : f32
    %add3A_53 = vector.broadcast %add3A_52 : f32 to vector<1024x1xf32>
    %add3A_54 = arith.addf %sub3A_51, %add3A_53 : vector<1024x1xf32>
    %get3A_55 = arith.constant 0 : index
    %get3A_56 = arith.constant 0 : index
    %get3A_57 = vector.load %arg3[%get3A_55, %get3A_56] : memref<1024x1xi32, #tpu.memory_space<vmem>>, vector<1024x1xi32>
    %iota3A = tpu.iota {dimensions = array<i32: 1>} : vector<1024x1000xi32>
    %eq3A_58 = vector.broadcast %get3A_57 : vector<1024x1xi32> to vector<1024x1000xi32>
    %eq3A_59 = arith.cmpi eq, %iota3A, %eq3A_58 : vector<1024x1000xi32>
    %jit3A_60 = arith.constant 0.000000e+00 : f32
    %broadcast_in_dim3A_61 = vector.broadcast %jit3A_60 : f32 to vector<1024x1000xf32>
    %select_n3A_62 = arith.select %eq3A_59, %dot_general3A_37, %broadcast_in_dim3A_61 : vector<1024x1000xi1>, vector<1024x1000xf32>
    %reduce_sum3A_63 = arith.constant dense<0.000000e+00> : vector<1024xf32>
    %reduce_sum3A_64 = vector.multi_reduction <add>, %select_n3A_62, %reduce_sum3A_63 [1] : vector<1024x1000xf32> to vector<1024xf32>
    %broadcast_in_dim3A_65 = vector.shape_cast %reduce_sum3A_64 : vector<1024xf32> to vector<1024x1xf32>
    %exp3A_66 = math.exp %broadcast_in_dim3A_65 : vector<1024x1xf32>
    %div3A_67 = arith.divf %exp3A_66, %add3A_54 : vector<1024x1xf32>
    %add3A_68 = arith.constant 9.99999997E-7 : f32
    %add3A_69 = vector.broadcast %add3A_68 : f32 to vector<1024x1xf32>
    %add3A_70 = arith.addf %div3A_67, %add3A_69 : vector<1024x1xf32>
    %log3A = math.log %add3A_70 : vector<1024x1xf32>
    %reduce_sum3A_71 = vector.shape_cast %log3A : vector<1024x1xf32> to vector<1x1024x1xf32>
    %reduce_sum3A_72 = arith.constant dense<0.000000e+00> : vector<1xf32>
    %reduce_sum3A_73 = vector.multi_reduction <add>, %reduce_sum3A_71, %reduce_sum3A_72 [1, 2] : vector<1x1024x1xf32> to vector<1xf32>
    %reduce_sum3A_74 = vector.shape_cast %reduce_sum3A_73 : vector<1xf32> to vector<1x1x1xf32>
    %reduce_sum3A_75 = vector.extract %reduce_sum3A_74[0, 0, 0] : f32 from vector<1x1x1xf32>
    %neg3A = arith.constant 0.000000e+00 : f32
    %neg3A_76 = arith.subf %neg3A, %reduce_sum3A_75 : f32
    %div3A_77 = arith.constant 1.024000e+03 : f32
    %div3A_78 = arith.divf %neg3A_76, %div3A_77 : f32
    %swap3A = arith.constant 0 : index
    %swap3A_79 = arith.constant 0 : index
    %swap3A_80 = memref.load %arg4[%swap3A, %swap3A_79] : memref<1x1xf32, #tpu.memory_space<smem>>
    memref.store %div3A_78, %arg4[%swap3A, %swap3A_79] : memref<1x1xf32, #tpu.memory_space<smem>>
    return
  }
}

</mosaic_0001>

<sc_bundles>
// kernel: kernel.4.cloned.1.call-start
scs
__scs_entry_jumppad:
0x0: {  	(pc) =	sbr.rel $0x88, $3  }
0x1: {  	(tag) =	ssettag $0x0;
	lr =	simm.s32 $0x1  }
0x2: {  	[smem:$0x3F9D] =	sst lr;
	_ =	strace $0xD0000000  }
0x3: {  	_ = 	snop  }
0x4: {  	_ = 	snop  }
0x5: {  	_ = 	snop  }
0x6: {  	_ = 	snop  }
0x7: {  	_ = 	snop  }
__scs_overlays_trampoline_lowered:
0x8: {  	[smem:$0x3FAC] =	sst s0  }
0x9: {  	[smem:$0x3FAD] =	sst s1  }
0xa: {  	[smem:$0x3FAE] =	sst s2  }
0xb: {  	[smem:$0x3FAF] =	sst s3  }
0xc: {  	[smem:$0x3FB0] =	sst s4  }
0xd: {  	[smem:$0x3FB1] =	sst s5  }
0xe: {  	[smem:$0x3FB2] =	sst s6  }
0xf: {  	[smem:$0x3FB3] =	sst s7  }
0x10: {  	[smem:$0x3FB4] =	sst s8  }
0x11: {  	[smem:$0x3FB5] =	sst s9;
	s0 =	simm.s32 @!p0 $0x0  }
0x12: {  	s1 =	sld [smem:$0x3F9B];
	s0 =	simm.s32 @p0 $0x1  }
0x13: {  	[smem:$0x3FB6] =	sst s0;
	s0 =	simm.s32 @!p1 $0x0  }
0x14: {  	s2 =	sld [smem:$0x3F9A];
	s0 =	simm.s32 @p1 $0x1  }
0x15: {  	[smem:$0x3FB7] =	sst s0;
	s0 =	simm.s32 @!p2 $0x0  }
0x16: {  	s3 =	sld [smem:$0x3FDB];
	s0 =	simm.s32 @p2 $0x1  }
0x17: {  	s4 =	simm.s32 $0x1BF5;
	[smem:$0x3FB9] =	sst s0  }
0x18: {  	s0 =	sld [smem:$0x3F9C];
	_ =	swait.ge [sflag:s4], $0x0  }
0x19: {  	s7 =	sld [smem:$0x3F9D]  }
0x1a: {  	s8 =	sadd.s32 $0xFFFFE003, lr  }
0x1b: {  	s9 =	sadd.s32 $0xFFFFFEF7, lr;
	s5 =	simm.s32 $0xFFFFFFFF;
	p2 =	slt.u32 s8, $0xFFFFF086  }
0x1c: {  	p1 =	slt.u32 s9, $0xF7A;
	s5 =	simm.s32 @!p2 $0x0  }
0x1d: {  	s5 =	simm.s32 @p1 $0x1;
	p0 =	seq.s32 s7, s2  }
0x1e: {  	s7 =	smul.u32 @!p0 $0xF7A, s2;
	p2 =	seq.s32 @!p0 s5, $0x0  }
0x1f: {  	s9 =	smul.u32 $0xF7A, s1;
	s8 =	simm.s32 @!p0 $0x1BF5;
	p2 =	por !p2, p0  }
0x20: {  	[sflag:s8] =	ssyncset.s32 @!p0 $0xFFFFF086;
	s6 =	sadd.s32 @!p0 s3, s7;
	s7 =	simm.s32 @!p0 $0x108  }
0x21: {  	s3 =	sadd.s32 s3, s9;
	s6 =	sadd.s32 @!p0 $0x88, s6;
	s7 =	simm.s32 @p2 $0x1082  }
0x22: {  	[simem:s7], [sflag:s8] =	dma.local @!p0 [hbm:s6], $0xF7A  }
0x23: {  	s9 =	sor.u32 $0xD0000000, s2;
	s6 =	simm.s32 $0x108;
	_ =	swait.ge @!p0 [sflag:s8], $0x0  }
0x24: {  	s3 =	sadd.s32 $0x88, s3;
	s6 =	simm.s32 @!p1 $0x1082;
	[sflag:s4] =	ssyncset.s32 $0xFFFFF086  }
0x25: {  	[simem:s6], [sflag:s4] =	dma.local [hbm:s3], $0xF7A  }
0x26: {  	[smem:$0x3F9D] =	sst s1;
	(tag) =	ssettag s2;
	_ =	strace s9  }
0x27: {  	s1 =	sld [smem:$0x3FAD]  }
0x28: {  	s2 =	sld [smem:$0x3FAE]  }
0x29: {  	s4 =	sld [smem:$0x3FB0]  }
0x2a: {  	p0 =	seq.s32 s5, $0x0;
	s5 =	sld [smem:$0x3FB1]  }
0x2b: {  	s6 =	sld [smem:$0x3FB2]  }
0x2c: {  	s7 =	sld [smem:$0x3FB3]  }
0x2d: {  	s3 =	simm.s32 $0x108;
	s8 =	sld [smem:$0x3FB4]  }
0x2e: {  	s3 =	simm.s32 @!p0 $0x1082;
	s9 =	sld [smem:$0x3FB5]  }
0x2f: {  	lr =	sadd.s32 s0, s3;
	s0 =	sld [smem:$0x3FAC]  }
0x30: {  	s3 =	sld [smem:$0x3FAF]  }
0x31: {  	[smem:$0x3FB8] =	sst s10  }
0x32: {  	s10 =	sld [smem:$0x3FB6];
	_ =	sdelay $0x3  }
0x33: {  	p0 =	seq.s32 s10, $0x1;
	s10 =	sld [smem:$0x3FB8];
	_ =	sdelay $0x3  }
0x34: {  	[smem:$0x3FB8] =	sst s10  }
0x35: {  	s10 =	sld [smem:$0x3FB7];
	_ =	sdelay $0x3  }
0x36: {  	p1 =	seq.s32 s10, $0x1;
	s10 =	sld [smem:$0x3FB8];
	_ =	sdelay $0x3  }
0x37: {  	[smem:$0x3FB8] =	sst s10  }
0x38: {  	s10 =	sld [smem:$0x3FB9]  }
0x39: {  	_ = 	snop;
	(pc) =	sbr.ind lr, $3  }
0x3a: {  	_ = 	snop  }
0x3b: {  	_ = 	snop  }
0x3c: {  	p2 =	seq.s32 s10, $0x1;
	s10 =	sld [smem:$0x3FB8]  }
0x3d: {  	_ =	shalt  }
0x3e: {  	_ =	shalt  }
0x3f: {  	_ =	shalt  }
0x40: {  	_ =	shalt  }
0x41: {  	_ =	shalt  }
0x42: {  	_ =	shalt  }
0x43: {  	_ =	shalt  }
0x44: {  	_ =	shalt  }
0x45: {  	_ =	shalt  }
0x46: {  	_ =	shalt  }
0x47: {  	_ =	shalt  }
0x48: {  	_ =	shalt  }
0x49: {  	_ =	shalt  }
0x4a: {  	_ =	shalt  }
0x4b: {  	_ =	shalt  }
0x4c: {  	_ =	shalt  }
0x4d: {  	_ =	shalt  }
0x4e: {  	_ =	shalt  }
0x4f: {  	_ =	shalt  }
0x50: {  	_ =	shalt  }
0x51: {  	_ =	shalt  }
0x52: {  	_ =	shalt  }
0x53: {  	_ =	shalt  }
0x54: {  	_ =	shalt  }
0x55: {  	_ =	shalt  }
0x56: {  	_ =	shalt  }
0x57: {  	_ =	shalt  }
0x58: {  	_ =	shalt  }
0x59: {  	_ =	shalt  }
0x5a: {  	_ =	shalt  }
0x5b: {  	_ =	shalt  }
0x5c: {  	_ =	shalt  }
0x5d: {  	_ =	shalt  }
0x5e: {  	_ =	shalt  }
0x5f: {  	_ =	shalt  }
0x60: {  	_ =	shalt  }
0x61: {  	_ =	shalt  }
0x62: {  	_ =	shalt  }
0x63: {  	_ =	shalt  }
0x64: {  	_ =	shalt  }
0x65: {  	_ =	shalt  }
0x66: {  	_ =	shalt  }
0x67: {  	_ =	shalt  }
0x68: {  	_ =	shalt  }
0x69: {  	_ =	shalt  }
0x6a: {  	_ =	shalt  }
0x6b: {  	_ =	shalt  }
0x6c: {  	_ =	shalt  }
0x6d: {  	_ =	shalt  }
0x6e: {  	_ =	shalt  }
0x6f: {  	_ =	shalt  }
0x70: {  	_ =	shalt  }
0x71: {  	_ =	shalt  }
0x72: {  	_ =	shalt  }
0x73: {  	_ =	shalt  }
0x74: {  	_ =	shalt  }
0x75: {  	_ =	shalt  }
0x76: {  	_ =	shalt  }
0x77: {  	_ =	shalt  }
0x78: {  	_ =	shalt  }
0x79: {  	_ =	shalt  }
0x7a: {  	_ =	shalt  }
0x7b: {  	_ =	shalt  }
0x7c: {  	_ =	shalt  }
0x7d: {  	_ =	shalt  }
0x7e: {  	_ =	shalt  }
0x7f: {  	_ =	shalt  }
0x80: {  	_ =	shalt  }
0x81: {  	_ =	shalt  }
0x82: {  	_ =	shalt  }
0x83: {  	_ =	shalt  }
0x84: {  	_ =	shalt  }
0x85: {  	_ =	shalt  }
0x86: {  	_ =	shalt  }
0x87: {  	_ =	shalt  }
.Lfunc_end0:
.L_simem_size_0:
called_computation_lowered:
.L_overlay_start_0:
0x88: {  	s2 =	sld [smem:$0x3FD9]  }
0x89: {  	s3 =	sld [smem:$0x3FFE];
	_ =	sdelay $0x1  }
0x8a: {  	s1 =	srdreg.scid  }
0x8b: {  	s0 =	sand.u32 $0x1, s1  }
0x8c: {  	s17 =	sshll.u32 s0, $0xA;
	s2 =	sadd.s32 s3, s2  }
0x8d: {  	s2 =	sadd.s32 s2, s17  }
0x8e: {  	[smem:$0x3FC4] =	sst s2  }
0x8f: {  	_ = 	snop  }
0x90: {  	s2 =	sld [smem:$0x3FC8]  }
0x91: {  	s18 =	sld [smem:$0x3FC7]  }
0x92: {  	s4 =	sld [smem:$0x3FC6];
	(tm) =	ssettm $0x1  }
0x93: {  	s5 =	sld [smem:$0x3FFB];
	_ =	sdelay $0x3  }
0x94: {  	_ =	strace s5  }
0x95: {  	s5 =	sld [smem:$0x3FFC];
	_ =	sdelay $0x3  }
0x96: {  	_ =	strace s5  }
0x97: {  	s5 =	sld [smem:$0x3FFD];
	_ =	sdelay $0x3  }
0x98: {  	_ =	strace s5  }
0x99: {  	_ =	strace $0x8FFFFFFF  }
0x9a: {  	s19 =	sld [smem:$0x3FDB];
	_ =	sdelay $0x1  }
0x9b: {  	s6 =	simm.s32 $_scs_section_size  }
0x9c: {  	s7 =	simm.s32 $_size__tile_overlayer_lowered;
	s8 =	simm.s32 $_tile_overlayer_lowered  }
0x9d: {  	s22 =	simm.s32 $0x1BFF;
	s21 =	sshll.u32 s8, $0x1;
	s5 =	sadd.s32 s6, s19  }
0x9e: {  	s9 =	simm.s32 $0x0;
	s20 =	sshll.u32 s7, $0x1;
	s7 =	sadd.s32 s21, s5  }
0x9f: {  	[timem:s9], [sflag:s22] =	dma.local [hbm:s7], s20  }
0xa0: {  	_ =	swait.ge [sflag:s22], s20  }
0xa1: {  	s6 =	ssub.s32 $0x0, s20;
	[sflag:s22] =	ssyncset.done $0x0  }
0xa2: {  	[sflag:s22] =	ssyncadd.s32 s6;
	_ =	sdelay $0x1  }
0xa3: {  	s23 =	simm.s32 $0x1B8B  }
0xa4: {  	_ =	swait.ge [sflag:s23], $0x1  }
0xa5: {  	[sflag:s23] =	ssyncset.done $0x0  }
0xa6: {  	s25 =	simm.s32 $0x1B8E;
	s24 =	sld [smem:$0x3FFE];
	[sflag:s23] =	ssyncadd.s32 $0xFFFFFFFF  }
0xa7: {  	s26 =	simm.s32 $execute0_lowered;
	[smem:$0x3FD2] =	sst s25  }
0xa8: {  	s7 =	sshll.u32 s26, $0x1;
	_ =	strace $0x80000046;
	[dreg:$0x1] =	wrdreg $0xFFFFFFFF  }
0xa9: {  	s28 =	simm.s32 $_size_execute0_lowered;
	s5 =	sadd.s32 s5, s7;
	[dreg:$0x0] =	wrdreg $0x0  }
0xaa: {  	s7 =	sshll.u32 s28, $0x1;
	[dreg:$0x2] =	wrdreg s5  }
0xab: {  	[dreg:$0x3] =	wrdreg s7  }
0xac: {  	[dreg:$0x4] =	wrdreg $0xC0  }
0xad: {  	_ =	task [dreg:s9], $0x5FFFF  }
0xae: {  	[dreg:$0x1] =	wrdreg $0xFFFFFFFF  }
0xaf: {  	[dreg:$0x0] =	wrdreg $0x60  }
0xb0: {  	[dreg:$0x2] =	wrdreg s18  }
0xb1: {  	[dreg:$0x3] =	wrdreg s4  }
0xb2: {  	[dreg:$0x4] =	wrdreg s2  }
0xb3: {  	[dreg:$0x5] =	wrdreg s24  }
0xb4: {  	[dreg:$0x6] =	wrdreg $0xF2800  }
0xb5: {  	[dreg:$0x7] =	wrdreg $0x111C00  }
0xb6: {  	[dreg:$0x8] =	wrdreg $0x9  }
0xb7: {  	_ =	task.clear_ibuf [dreg:s9], $0x9FFFF;
	_ =	strace $0x90000046  }
0xb8: {  	s29 =	simm.s32 $0x9;
	_ =	strace $0x80000048  }
0xb9: {  	_ =	swait.ge [sflag:s29], $0x1  }
0xba: {  	[sflag:s29] =	ssyncadd.s32 $0xFFFFFFFF  }
0xbb: {  	_ =	strace $0x90000048  }
0xbc: {  	_ =	sfence  }
0xbd: {  	s30 =	sld [smem:$0x0];
	_ =	sdelay $0x2  }
0xbe: {  	s31 =	sshll.u32 s1, $0xD;
	s1 =	sshrl.u32 s1, $0x2  }
0xbf: {  	s3 =	sand.u32 $0x4000, s31;
	s1 =	sadd.s32 s1, s30  }
0xc0: {  	s0 =	sor.u32 s3, s0;
	s1 =	sshll.u32 s1, $0x11  }
0xc1: {  	s0 =	sor.u32 s1, s0  }
0xc2: {  	s0 =	sadd.s32 $0x8F2B, s0  }
0xc3: {  	[sflag:s0] =	ssyncadd.remote.s32 $0x1  }
0xc4: {  	_ =	sfence.sel $0xFFFF  }
0xc5: {  	[dreg:$0x0] =	wrdreg $0xFFFFFFFF;
	(pc) =	sbr.abs _section_cstart, $3  }
0xc6: {  	[dreg:$0x1] =	wrdreg $0xFFFFFFFF  }
0xc7: {  	_ =	task.clear_ibuf [dreg:s9], $0x2FFFF;
	_ =	strace $0x9FFFFFFF  }
0xc8: {  	(tm) =	ssettm $0x7FFFFFFF  }
0xc9: {  	_ =	shalt  }
tec
execute0_lowered:
.L_overlay_start_1:
0x0: {  	(tag) =	ssettag $0x1  }
0x1: {  	s0 =	rddreg [dreg:$0x0]  }
0x2: {  	s1 =	rddreg [dreg:$0x1]  }
0x3: {  	s3 =	rddreg [dreg:$0x2]  }
0x4: {  	s6 =	rddreg [dreg:$0x3]  }
0x5: {  	s2 =	rddreg [dreg:$0x4]  }
0x6: {  	s4 =	rddreg [dreg:$0x5];
	s5 =	simm.s32 $0x0;
	s7 =	srdreg.scid  }
0x7: {  	s16 =	stileid.u32;
	s29 =	simm.s32 $0x100;
	s30 =	simm.s32 $0x80  }
0x8: {  	s31 =	simm.s32 $0x4100;
	[smem:$0x7FF] =	sst s5;
	s7 =	sand.u32 $0x1, s7  }
0x9: {  	s8 =	sshll.u32 s16, $0x1;
	s9 =	sadd.s32 $0x1000, s6;
	s14 =	sadd.s32 $0x8E00, s6  }
0xa: {  	s21 =	sshll.u32 s16, $0xD;
	p1 =	seq.s32 s16, $0xF;
	s28 =	sadd.s32 $0x30D0, s1  }
0xb: {  	_ =	strace $0x80000047;
	s8 =	sor.u32 s7, s8;
	s11 =	ssub.s32 $0x2, s7  }
0xc: {  	s19 =	smul.u32 $0x1F400, s7;
	s10 =	sshll.u32 s8, $0x2;
	s12 =	sshrl.u32 s11, $0x1  }
0xd: {  	s25 =	sshll.u32 s8, $0x4;
	s15 =	sshll.u32 s8, $0x7;
	s26 =	sshll.u32 s8, $0xB  }
0xe: {  	p0 =	sgt.u32 s8, $0xC;
	s6 =	sadd.s32 s10, s6;
	s11 =	ssub.s32 s11, s12  }
0xf: {  	s12 =	sadd.s32 s1, s25;
	s13 =	sor.u32 $0x1000, s15;
	s3 =	sadd.s32 s3, s10  }
0x10: {  	s22 =	sadd.s32 s21, s19;
	s23 =	sshrl.u32 s19, $0x3;
	s19 =	sshll.u32 s16, $0xC  }
0x11: {  	p2 =	sne.s32 @p0 s8, $0x1F;
	s8 =	simm.s32 $0x1;
	[dreg:$0x7] =	wrdreg s12  }
0x12: {  	s12 =	sadd.s32 s0, s26;
	s17 =	sshrl.u32 s13, $0x3;
	[dreg:$0xb] =	wrdreg s3  }
0x13: {  	s13 =	sshll.u32 s13, $0x4;
	s20 =	sadd.s32 $0xE00, s6;
	[dreg:$0x8] =	wrdreg s12  }
0x14: {  	s25 =	sadd.s32 $0x3C00, s23;
	s23 =	smax.u32 s11, $0x1;
	[dreg:$0xc] =	wrdreg s20  }
0x15: {  	s24 =	sshrl.u32 s22, $0x3;
	s12 =	sadd.s32 s1, s17;
	[dreg:$0x13] =	wrdreg s23  }
0x16: {  	s6 =	sadd.s32 s19, s0;
	s18 =	sadd.s32 s0, s13;
	[dreg:$0x9] =	wrdreg s12  }
0x17: {  	s22 =	sshll.u32 s16, $0x8;
	s26 =	sadd.s32 s9, s24;
	[dreg:$0xa] =	wrdreg s18  }
0x18: {  	p2 =	por p2, !p0;
	s3 =	sadd.s32 s14, s24;
	[dreg:$0xd] =	wrdreg s26  }
0x19: {  	s11 =	simm.s32 $0x0;
	s10 =	sadd.s32 s9, s25;
	[dreg:$0xe] =	wrdreg s3  }
0x1a: {  	s13 =	sadd.s32 s21, s4;
	s14 =	sadd.s32 s14, s25;
	[dreg:$0xf] =	wrdreg s10  }
0x1b: {  	s17 =	sor.u32 $0x18000, s15;
	s12 =	sadd.s32 s21, s2;
	[dreg:$0x10] =	wrdreg s14  }
0x1c: {  	s20 =	sshll.u32 s17, $0x4;
	s21 =	sshll.u32 s7, $0xB;
	s7 =	sshll.u32 s7, $0x7  }
0x1d: {  	s18 =	sadd.s32 $0x1E000, s2;
	s24 =	sshrl.u32 s17, $0x3;
	s3 =	simm.s32 $0x4  }
0x1e: {  	s10 =	simm.s32 $0x2;
	s6 =	sadd.s32 s21, s6;
	s9 =	sadd.s32 s0, s20  }
0x1f: {  	s7 =	sor.u32 s7, s22;
	s0 =	sadd.s32 $0x186800, s0;
	[dreg:$0x11] =	wrdreg s9  }
0x20: {  	s22 =	sadd.s32 s1, s24;
	[dreg:$0x12] =	wrdreg s0;
	s25 =	sor.u32 $0x3000, s7  }
0x21: {  	s23 =	sadd.s32 $0x20000, s6;
	s24 =	sor.u32 $0x2000, s7;
	s0 =	simm.s32 $0xF180  }
0x22: {  	s6 =	simm.s32 $0xF200;
	s7 =	simm.s32 $0x3;
	s26 =	sshrl.u32 s25, $0x3  }
0x23: {  	v0 =	vimm.f32 $1.000000000e+00;
	v1 =	vimm.f32 $0.0e+00;
	s9 =	simm.s32 $0x8100;
	s25 =	sadd.s32 s26, s1;
	s26 =	sadd.s32 $0x1E000, s4  }
.LBB2_1:
0x24: {  	s14 =	simm.s32 $0x0;
	s15 =	simm.s32 $0x200  }
.LBB2_2:
0x25: {  	p3 =	sne.s32 s15, $0xFE00;
	[tilespmem:s14+$0x8170] =	vst v0  }
0x26: {  	[tilespmem:s14+$0x8100] =	vst v0  }
0x27: {  	[tilespmem:s14+$0x8110] =	vst v0  }
.Ltmp0:
0x28: {  	[tilespmem:s14+$0x8120] =	vst v0;
	(pc) =	sbr.rel @p3 .LBB2_2-.Ltmp0, $4  }
0x29: {  	[tilespmem:s14+$0x8130] =	vst v0  }
0x2a: {  	[tilespmem:s14+$0x8140] =	vst v0  }
0x2b: {  	[tilespmem:s14+$0x8150] =	vst v0  }
0x2c: {  	[tilespmem:s14+$0x8160] =	vst v0;
	s14 =	sshra.s32 s15, $0x2;
	s15 =	sadd.s32 $0x200, s15  }
0x2d: {  	[tilespmem:s14+$0x8170] =	vst v0  }
0x2e: {  	[tilespmem:s14+$0x8100] =	vst v0  }
0x2f: {  	[tilespmem:s14+$0x8110] =	vst v0  }
0x30: {  	[tilespmem:s14+$0x8120] =	vst v0  }
0x31: {  	[tilespmem:s14+$0x8130] =	vst v0  }
0x32: {  	[tilespmem:s14+$0x8140] =	vst v0  }
0x33: {  	[tilespmem:s14+$0x8150] =	vst v0  }
0x34: {  	[tilespmem:s14+$0x8160] =	vst v0;
	s14 =	simm.s32 $0x0;
	s15 =	simm.s32 $0x200  }
.LBB2_4:
0x35: {  	p3 =	sne.s32 s15, $0x7E00;
	[tilespmem:s14+$0xC170] =	vst v1  }
0x36: {  	[tilespmem:s14+$0xC100] =	vst v1  }
0x37: {  	[tilespmem:s14+$0xC110] =	vst v1  }
.Ltmp1:
0x38: {  	[tilespmem:s14+$0xC120] =	vst v1;
	(pc) =	sbr.rel @p3 .LBB2_4-.Ltmp1, $4  }
0x39: {  	[tilespmem:s14+$0xC130] =	vst v1  }
0x3a: {  	[tilespmem:s14+$0xC140] =	vst v1  }
0x3b: {  	[tilespmem:s14+$0xC150] =	vst v1  }
0x3c: {  	[tilespmem:s14+$0xC160] =	vst v1;
	s14 =	sshra.s32 s15, $0x2;
	s15 =	sadd.s32 $0x200, s15  }
0x3d: {  	[tilespmem:s14+$0xC170] =	vst v1  }
0x3e: {  	[tilespmem:s14+$0xC100] =	vst v1  }
0x3f: {  	[tilespmem:s14+$0xC110] =	vst v1  }
0x40: {  	[tilespmem:s14+$0xC120] =	vst v1  }
0x41: {  	[tilespmem:s14+$0xC130] =	vst v1  }
0x42: {  	[tilespmem:s14+$0xC140] =	vst v1  }
0x43: {  	[tilespmem:s14+$0xC150] =	vst v1  }
0x44: {  	[tilespmem:s14+$0xC160] =	vst v1;
	s19 =	rddreg [dreg:$0x7]  }
0x45: {  	[tilespmem:s5], [sflag:$0x1] =	stream.linear.gather [hbm4b:s19+s5], $0x80, $0x38;
	[tilespmem:$0x13100] =	vst v63  }
0x46: {  	s20 =	rddreg [dreg:$0x8]  }
0x47: {  	[tilespmem:s29], [sflag:$0x1] =	stream.linear.gather [hbm4b:s20+s5], $0x4000, $0x38;
	[tilespmem:$0x13100] =	vst v63  }
0x48: {  	s21 =	rddreg [dreg:$0x9]  }
0x49: {  	[tilespmem:s30], [sflag:$0x2] =	stream.linear.gather [hbm4b:s21+s5], $0x80, $0x38;
	[tilespmem:$0x13100] =	vst v63  }
0x4a: {  	s15 =	rddreg [dreg:$0xa]  }
0x4b: {  	[tilespmem:s31], [sflag:$0x2] =	stream.linear.gather [hbm4b:s15+s5], $0x4000, $0x38;
	[tilespmem:$0x13100] =	vst v63  }
0x4c: {  	s16 =	rddreg [dreg:$0xb]  }
0x4d: {  	[tilespmem:s0], [sflag:$0x4] =	stream.linear.gather [hbm4b:s16+s5], $0x20, $0x38;
	[tilespmem:$0x13100] =	vst v63  }
0x4e: {  	_ =	swait.ge [sflag:s3], $0x20  }
0x4f: {  	[sflag:s3] =	ssyncset.done $0x0  }
0x50: {  	s17 =	simm.s32 $0x20;
	[sflag:s3] =	ssyncadd.s32 $0xFFFFFFE0  }
0x51: {  	[tilespmem:s6], [sflag:$0x3] =	stream.indirect.gather [hbm4b:s1+s17], $0x1, s0, s17, $0xb8;
	[tilespmem:$0x13100] =	vst v63  }
0x52: {  	_ =	swait.ge [sflag:s7], $0x20  }
0x53: {  	[sflag:s7] =	ssyncset.done $0x0  }
0x54: {  	s19 =	rddreg [dreg:$0xc];
	[sflag:s7] =	ssyncadd.s32 $0xFFFFFFE0  }
0x55: {  	[hbm4b:s19+s5] =	stream.linear.scatter [tilespmem:s6], [sflag:$0x4], $0x20, $0x38;
	[tilespmem:$0x13100] =	vst v63  }
0x56: {  	_ =	swait.ge [sflag:s3], $0x20  }
0x57: {  	[sflag:s3] =	ssyncset.done $0x0  }
0x58: {  	s14 =	simm.s32 @p1 $0xC100;
	s15 =	simm.s32 @p1 $0x4;
	[sflag:s3] =	ssyncadd.s32 $0xFFFFFFE0  }
0x59: {  	[spmem:s18] =	stream.linear.scatter @p1 [tilespmem:s14], [sflag:$0x4], $0x1400, $0x38;
	[tilespmem:$0x13100] =	vst v63  }
0x5a: {  	_ =	swait.ge @p1 [sflag:s15], $0x1400  }
0x5b: {  	[sflag:s15] =	ssyncset.done @p1 $0x0  }
0x5c: {  	[sflag:s15] =	ssyncadd.s32 @p1 $0xFFFFEC00  }
0x5d: {  	[spmem:s26] =	stream.linear.scatter @p1 [tilespmem:s14], [sflag:$0x4], $0x1400, $0x38;
	[tilespmem:$0x13100] =	vst v63  }
0x5e: {  	_ =	swait.ge @p1 [sflag:s15], $0x1400  }
0x5f: {  	[sflag:s15] =	ssyncset.done @p1 $0x0  }
0x60: {  	s14 =	simm.s32 @!p1 $0xC100;
	[sflag:s15] =	ssyncadd.s32 @p1 $0xFFFFEC00;
	s15 =	simm.s32 @!p1 $0x4  }
0x61: {  	[spmem:s12] =	stream.linear.scatter @!p1 [tilespmem:s14], [sflag:$0x4], $0x2000, $0x38;
	[tilespmem:$0x13100] =	vst v63  }
0x62: {  	_ =	swait.ge @!p1 [sflag:s15], $0x2000  }
0x63: {  	[sflag:s15] =	ssyncset.done @!p1 $0x0  }
0x64: {  	[sflag:s15] =	ssyncadd.s32 @!p1 $0xFFFFE000  }
0x65: {  	[spmem:s13] =	stream.linear.scatter @!p1 [tilespmem:s14], [sflag:$0x4], $0x2000, $0x38;
	[tilespmem:$0x13100] =	vst v63  }
0x66: {  	_ =	swait.ge @!p1 [sflag:s15], $0x2000  }
0x67: {  	[sflag:s15] =	ssyncset.done @!p1 $0x0  }
0x68: {  	[sflag:s15] =	ssyncadd.s32 @!p1 $0xFFFFE000  }
0x69: {  	[bflag:$0x0] =	sbarrier.arrive $0xFFFF  }
0x6a: {  	_ =	swait.ge [sflag:s8], $0x80  }
0x6b: {  	[sflag:s8] =	ssyncset.done $0x0  }
0x6c: {  	[sflag:s8] =	ssyncadd.s32 $0xFFFFFF80  }
0x6d: {  	_ =	swait.ge [sflag:s8], $0x4000  }
0x6e: {  	[sflag:s8] =	ssyncset.done $0x0  }
0x6f: {  	[sflag:s8] =	ssyncadd.s32 $0xFFFFC000  }
0x70: {  	[spmem:s2] =	stream.indirect.scatter.add.f32 [tilespmem:s29], [sflag:$0x4], $0x80, s5, s30, $0xb8;
	[tilespmem:$0x13100] =	vst v63  }
0x71: {  	_ =	swait.ge [sflag:s3], $0x4000  }
0x72: {  	[sflag:s3] =	ssyncset.done $0x0  }
0x73: {  	[sflag:s3] =	ssyncadd.s32 $0xFFFFC000  }
0x74: {  	[spmem:s4] =	stream.indirect.scatter.add.f32 [tilespmem:s9], [sflag:$0x4], $0x80, s5, s30, $0xb8;
	[tilespmem:$0x13100] =	vst v63  }
0x75: {  	_ =	swait.ge [sflag:s3], $0x4000  }
0x76: {  	s20 =	sshrl.u32 s24, $0x3;
	[sflag:s3] =	ssyncset.done $0x0  }
0x77: {  	s14 =	sadd.s32 s1, s20;
	[sflag:s3] =	ssyncadd.s32 $0xFFFFC000  }
0x78: {  	[tilespmem:s5], [sflag:$0x1] =	stream.linear.gather [hbm4b:s14+s5], $0x80, $0x38;
	[tilespmem:$0x13100] =	vst v63  }
0x79: {  	_ = 	snop  }
0x7a: {  	[tilespmem:s29], [sflag:$0x1] =	stream.linear.gather [hbm4b:s23+s5], $0x4000, $0x38;
	[tilespmem:$0x13100] =	vst v63  }
0x7b: {  	_ =	swait.ge [sflag:s10], $0x80  }
0x7c: {  	[sflag:s10] =	ssyncset.done $0x0  }
0x7d: {  	[sflag:s10] =	ssyncadd.s32 $0xFFFFFF80  }
0x7e: {  	_ =	swait.ge [sflag:s10], $0x4000  }
0x7f: {  	[sflag:s10] =	ssyncset.done $0x0  }
0x80: {  	[sflag:s10] =	ssyncadd.s32 $0xFFFFC000  }
0x81: {  	[spmem:s2] =	stream.indirect.scatter.add.f32 [tilespmem:s31], [sflag:$0x4], $0x80, s30, s30, $0xb8;
	[tilespmem:$0x13100] =	vst v63  }
0x82: {  	_ =	swait.ge [sflag:s3], $0x4000  }
0x83: {  	[sflag:s3] =	ssyncset.done $0x0  }
0x84: {  	[sflag:s3] =	ssyncadd.s32 $0xFFFFC000  }
0x85: {  	[spmem:s4] =	stream.indirect.scatter.add.f32 [tilespmem:s9], [sflag:$0x4], $0x80, s30, s30, $0xb8;
	[tilespmem:$0x13100] =	vst v63  }
0x86: {  	s21 =	sadd.s32 $0x0, s25;
	_ =	swait.ge [sflag:s3], $0x4000  }
0x87: {  	s16 =	sadd.s32 $0x2000, s24;
	s17 =	sadd.s32 $0x10000, s23;
	[sflag:s3] =	ssyncset.done $0x0  }
0x88: {  	s15 =	sadd.s32 $0x20000, s23;
	s14 =	simm.s32 $0x400;
	[sflag:s3] =	ssyncadd.s32 $0xFFFFC000  }
0x89: {  	[tilespmem:s30], [sflag:$0x2] =	stream.linear.gather [hbm4b:s21+s5], $0x80, $0x38;
	[tilespmem:$0x13100] =	vst v63  }
.LBB2_6:
0x8a: {  	[tilespmem:s31], [sflag:$0x2] =	stream.linear.gather [hbm4b:s17+s5], $0x4000, $0x38;
	[tilespmem:$0x13100] =	vst v63  }
0x8b: {  	s17 =	smov.u32 s14  }
0x8c: {  	p3 =	sne.s32 s14, $0x2800;
	s14 =	sadd.s32 $0x400, s14;
	_ =	swait.ge [sflag:s8], $0x80  }
0x8d: {  	[sflag:s8] =	ssyncset.done $0x0  }
0x8e: {  	[sflag:s8] =	ssyncadd.s32 $0xFFFFFF80  }
0x8f: {  	_ =	swait.ge [sflag:s8], $0x4000  }
0x90: {  	[sflag:s8] =	ssyncset.done $0x0  }
0x91: {  	[sflag:s8] =	ssyncadd.s32 $0xFFFFC000  }
0x92: {  	[spmem:s2] =	stream.indirect.scatter.add.f32 [tilespmem:s29], [sflag:$0x4], $0x80, s5, s30, $0xb8;
	[tilespmem:$0x13100] =	vst v63  }
0x93: {  	_ =	swait.ge [sflag:s3], $0x4000  }
0x94: {  	[sflag:s3] =	ssyncset.done $0x0  }
0x95: {  	[sflag:s3] =	ssyncadd.s32 $0xFFFFC000  }
0x96: {  	[spmem:s4] =	stream.indirect.scatter.add.f32 [tilespmem:s9], [sflag:$0x4], $0x80, s5, s30, $0xb8;
	[tilespmem:$0x13100] =	vst v63  }
0x97: {  	_ =	swait.ge [sflag:s3], $0x4000  }
0x98: {  	s19 =	sshrl.u32 s16, $0x3;
	[sflag:s3] =	ssyncset.done $0x0  }
0x99: {  	s19 =	sadd.s32 s1, s19;
	[sflag:s3] =	ssyncadd.s32 $0xFFFFC000  }
0x9a: {  	[tilespmem:s5], [sflag:$0x1] =	stream.linear.gather [hbm4b:s19+s5], $0x80, $0x38;
	[tilespmem:$0x13100] =	vst v63  }
0x9b: {  	_ = 	snop  }
0x9c: {  	[tilespmem:s29], [sflag:$0x1] =	stream.linear.gather [hbm4b:s15+s5], $0x4000, $0x38;
	[tilespmem:$0x13100] =	vst v63  }
0x9d: {  	_ =	swait.ge [sflag:s10], $0x80  }
0x9e: {  	[sflag:s10] =	ssyncset.done $0x0  }
0x9f: {  	[sflag:s10] =	ssyncadd.s32 $0xFFFFFF80  }
0xa0: {  	_ =	swait.ge [sflag:s10], $0x4000  }
0xa1: {  	[sflag:s10] =	ssyncset.done $0x0  }
0xa2: {  	[sflag:s10] =	ssyncadd.s32 $0xFFFFC000  }
0xa3: {  	[spmem:s2] =	stream.indirect.scatter.add.f32 [tilespmem:s31], [sflag:$0x4], $0x80, s30, s30, $0xb8;
	[tilespmem:$0x13100] =	vst v63  }
0xa4: {  	_ =	swait.ge [sflag:s3], $0x4000  }
0xa5: {  	[sflag:s3] =	ssyncset.done $0x0  }
0xa6: {  	[sflag:s3] =	ssyncadd.s32 $0xFFFFC000  }
0xa7: {  	[spmem:s4] =	stream.indirect.scatter.add.f32 [tilespmem:s9], [sflag:$0x4], $0x80, s30, s30, $0xb8;
	[tilespmem:$0x13100] =	vst v63  }
.Ltmp2:
0xa8: {  	_ =	swait.ge [sflag:s3], $0x4000;
	(pc) =	sbr.rel @p3 .LBB2_6-.Ltmp2, $4  }
0xa9: {  	[sflag:s3] =	ssyncset.done $0x0  }
0xaa: {  	s17 =	sadd.s32 s17, s25;
	[sflag:s3] =	ssyncadd.s32 $0xFFFFC000  }
0xab: {  	[tilespmem:s30], [sflag:$0x2] =	stream.linear.gather [hbm4b:s17+s5], $0x80, $0x38;
	[tilespmem:$0x13100] =	vst v63  }
0xac: {  	s16 =	sadd.s32 $0x2000, s16;
	s17 =	sadd.s32 $0x10000, s15;
	s15 =	sadd.s32 $0x20000, s15  }
0xad: {  	[tilespmem:s31], [sflag:$0x2] =	stream.linear.gather [hbm4b:s17+s5], $0x4000, $0x38;
	[tilespmem:$0x13100] =	vst v63  }
0xae: {  	_ =	swait.ge [sflag:s8], $0x80  }
0xaf: {  	[sflag:s8] =	ssyncset.done $0x0  }
0xb0: {  	[sflag:s8] =	ssyncadd.s32 $0xFFFFFF80  }
0xb1: {  	_ =	swait.ge [sflag:s8], $0x4000  }
0xb2: {  	[sflag:s8] =	ssyncset.done $0x0  }
0xb3: {  	[sflag:s8] =	ssyncadd.s32 $0xFFFFC000  }
0xb4: {  	[spmem:s2] =	stream.indirect.scatter.add.f32 [tilespmem:s29], [sflag:$0x4], $0x80, s5, s30, $0xb8;
	[tilespmem:$0x13100] =	vst v63  }
0xb5: {  	_ =	swait.ge [sflag:s3], $0x4000  }
0xb6: {  	[sflag:s3] =	ssyncset.done $0x0  }
0xb7: {  	[sflag:s3] =	ssyncadd.s32 $0xFFFFC000  }
0xb8: {  	[spmem:s4] =	stream.indirect.scatter.add.f32 [tilespmem:s9], [sflag:$0x4], $0x80, s5, s30, $0xb8;
	[tilespmem:$0x13100] =	vst v63  }
0xb9: {  	_ =	swait.ge [sflag:s3], $0x4000  }
0xba: {  	[sflag:s3] =	ssyncset.done $0x0  }
0xbb: {  	s14 =	simm.s32 @!p0 $0x0;
	[sflag:s3] =	ssyncadd.s32 $0xFFFFC000  }
0xbc: {  	[tilespmem:s14], [sflag:$0x1] =	stream.linear.gather @!p0 [hbm4b:s22+s14], $0x80, $0x38;
	[tilespmem:$0x13100] =	vst v63  }
0xbd: {  	s15 =	simm.s32 @!p0 $0x100;
	s16 =	rddreg [dreg:$0x11]  }
0xbe: {  	[tilespmem:s15], [sflag:$0x1] =	stream.linear.gather @!p0 [hbm4b:s16+s14], $0x4000, $0x38;
	[tilespmem:$0x13100] =	vst v63  }
0xbf: {  	_ =	swait.ge [sflag:s10], $0x80  }
0xc0: {  	[sflag:s10] =	ssyncset.done $0x0  }
0xc1: {  	[sflag:s10] =	ssyncadd.s32 $0xFFFFFF80  }
0xc2: {  	_ =	swait.ge [sflag:s10], $0x4000  }
0xc3: {  	[sflag:s10] =	ssyncset.done $0x0  }
0xc4: {  	[sflag:s10] =	ssyncadd.s32 $0xFFFFC000  }
0xc5: {  	[spmem:s2] =	stream.indirect.scatter.add.f32 [tilespmem:s31], [sflag:$0x4], $0x80, s30, s30, $0xb8;
	[tilespmem:$0x13100] =	vst v63  }
0xc6: {  	_ =	swait.ge [sflag:s3], $0x4000  }
0xc7: {  	[sflag:s3] =	ssyncset.done $0x0  }
0xc8: {  	[sflag:s3] =	ssyncadd.s32 $0xFFFFC000  }
0xc9: {  	[spmem:s4] =	stream.indirect.scatter.add.f32 [tilespmem:s9], [sflag:$0x4], $0x80, s30, s30, $0xb8;
	[tilespmem:$0x13100] =	vst v63  }
0xca: {  	_ =	swait.ge [sflag:s3], $0x4000  }
0xcb: {  	s17 =	simm.s32 @!p2 $0xE100;
	[sflag:s3] =	ssyncset.done $0x0  }
0xcc: {  	s19 =	simm.s32 @!p2 $0x4;
	s16 =	simm.s32 @!p2 $0x0;
	[sflag:s3] =	ssyncadd.s32 $0xFFFFC000  }
0xcd: {  	[tilespmem:s17], [sflag:$0x4] =	stream.linear.gather @!p2 [hbm4b:s28+s16], $0x20, $0x38;
	[tilespmem:$0x13100] =	vst v63  }
0xce: {  	_ =	swait.ge @!p2 [sflag:s19], $0x20  }
0xcf: {  	[sflag:s19] =	ssyncset.done @!p2 $0x0  }
0xd0: {  	s20 =	simm.s32 @!p2 $0xE180;
	s21 =	rddreg [dreg:$0x12];
	[sflag:s19] =	ssyncadd.s32 @!p2 $0xFFFFFFE0  }
0xd1: {  	[tilespmem:s20], [sflag:$0x4] =	stream.linear.gather @!p2 [hbm4b:s21+s16], $0x1000, $0x38;
	[tilespmem:$0x13100] =	vst v63  }
0xd2: {  	_ =	swait.ge @!p2 [sflag:s19], $0x1000  }
0xd3: {  	[sflag:s19] =	ssyncset.done @!p2 $0x0  }
0xd4: {  	s16 =	simm.s32 @!p2 $0x20;
	[sflag:s19] =	ssyncadd.s32 @!p2 $0xFFFFF000  }
0xd5: {  	[spmem:s2] =	stream.indirect.scatter.add.f32 @!p2 [tilespmem:s20], [sflag:$0x4], $0x80, s17, s16, $0xb8;
	[tilespmem:$0x13100] =	vst v63  }
0xd6: {  	_ =	swait.ge @!p2 [sflag:s19], $0x1000  }
0xd7: {  	[sflag:s19] =	ssyncset.done @!p2 $0x0  }
0xd8: {  	s20 =	simm.s32 @!p2 $0x8100;
	[sflag:s19] =	ssyncadd.s32 @!p2 $0xFFFFF000  }
0xd9: {  	[spmem:s4] =	stream.indirect.scatter.add.f32 @!p2 [tilespmem:s20], [sflag:$0x4], $0x80, s17, s16, $0xb8;
	[tilespmem:$0x13100] =	vst v63  }
0xda: {  	_ =	swait.ge @!p2 [sflag:s19], $0x1000  }
0xdb: {  	[sflag:s19] =	ssyncset.done @!p2 $0x0  }
0xdc: {  	s16 =	simm.s32 @!p0 $0x1;
	[sflag:s19] =	ssyncadd.s32 @!p2 $0xFFFFF000  }
0xdd: {  	_ =	swait.ge @!p0 [sflag:s16], $0x80  }
0xde: {  	[sflag:s16] =	ssyncset.done @!p0 $0x0  }
0xdf: {  	[sflag:s16] =	ssyncadd.s32 @!p0 $0xFFFFFF80  }
0xe0: {  	_ =	swait.ge @!p0 [sflag:s16], $0x4000  }
0xe1: {  	[sflag:s16] =	ssyncset.done @!p0 $0x0  }
0xe2: {  	[sflag:s16] =	ssyncadd.s32 @!p0 $0xFFFFC000;
	s16 =	simm.s32 @!p0 $0x80  }
0xe3: {  	[spmem:s2] =	stream.indirect.scatter.add.f32 @!p0 [tilespmem:s15], [sflag:$0x4], $0x80, s14, s16, $0xb8;
	[tilespmem:$0x13100] =	vst v63  }
0xe4: {  	s15 =	simm.s32 @!p0 $0x4  }
0xe5: {  	_ =	swait.ge @!p0 [sflag:s15], $0x4000  }
0xe6: {  	[sflag:s15] =	ssyncset.done @!p0 $0x0  }
0xe7: {  	s17 =	simm.s32 @!p0 $0x8100;
	[sflag:s15] =	ssyncadd.s32 @!p0 $0xFFFFC000  }
0xe8: {  	[spmem:s4] =	stream.indirect.scatter.add.f32 @!p0 [tilespmem:s17], [sflag:$0x4], $0x80, s14, s16, $0xb8;
	[tilespmem:$0x13100] =	vst v63  }
0xe9: {  	_ =	swait.ge @!p0 [sflag:s15], $0x4000  }
0xea: {  	[sflag:s15] =	ssyncset.done @!p0 $0x0  }
0xeb: {  	[sflag:s15] =	ssyncadd.s32 @!p0 $0xFFFFC000  }
0xec: {  	[bflag:$0x0] =	sbarrier.arrive $0xFFFF  }
0xed: {  	s14 =	sshrl.u32 @p1 s18, $0x3;
	s15 =	simm.s32 @p1 $0x1FC4;
	s16 =	rddreg [dreg:$0xf]  }
0xee: {  	[hbm:s16], [sflag:s15] =	dma.local @p1 [spmem:s14], $0x280  }
0xef: {  	s14 =	simm.s32 @p1 $0x4  }
0xf0: {  	_ =	swait.ge @p1 [sflag:s14], $0x280  }
0xf1: {  	[sflag:s14] =	ssyncset.done @p1 $0x0  }
0xf2: {  	s16 =	sshrl.u32 @p1 s26, $0x3;
	s17 =	rddreg [dreg:$0x10];
	[sflag:s14] =	ssyncadd.s32 @p1 $0xFFFFFD80  }
0xf3: {  	[hbm:s17], [sflag:s15] =	dma.local @p1 [spmem:s16], $0x280  }
0xf4: {  	s15 =	stileid.u32;
	_ =	swait.ge @p1 [sflag:s14], $0x280  }
0xf5: {  	s15 =	sshll.u32 @!p1 s15, $0x6;
	[sflag:s14] =	ssyncset.done @p1 $0x0;
	s16 =	rddreg [dreg:$0xd]  }
0xf6: {  	[sflag:s14] =	ssyncadd.s32 @p1 $0xFFFFFD80;
	s14 =	sor.u32 @!p1 $0x1C04, s15;
	s15 =	sshrl.u32 @!p1 s12, $0x3  }
0xf7: {  	[hbm:s16], [sflag:s14] =	dma.local @!p1 [spmem:s15], $0x400  }
0xf8: {  	s15 =	simm.s32 @!p1 $0x4  }
0xf9: {  	_ =	swait.ge @!p1 [sflag:s15], $0x400  }
0xfa: {  	[sflag:s15] =	ssyncset.done @!p1 $0x0  }
0xfb: {  	s16 =	sshrl.u32 @!p1 s13, $0x3;
	s17 =	rddreg [dreg:$0xe];
	[sflag:s15] =	ssyncadd.s32 @!p1 $0xFFFFFC00  }
0xfc: {  	[hbm:s17], [sflag:s14] =	dma.local @!p1 [spmem:s16], $0x400  }
0xfd: {  	_ =	swait.ge @!p1 [sflag:s15], $0x400  }
0xfe: {  	s11 =	sadd.s32 $0x1, s11;
	s21 =	rddreg [dreg:$0x13]  }
0xff: {  	p3 =	sne.s32 s11, s21  }
.Ltmp3:
0x100: {  	_ = 	snop;
	(pc) =	sbr.rel @p3 .LBB2_1-.Ltmp3, $3  }
0x101: {  	_ =	sdelay $0x1  }
0x102: {  	[sflag:s15] =	ssyncset.done @!p1 $0x0  }
0x103: {  	[sflag:s15] =	ssyncadd.s32 @!p1 $0xFFFFFC00  }
0x104: {  	_ =	sfence.sel $0x180000  }
0x105: {  	[bflag:$0x0] =	sbarrier.arrive $0xFFFF  }
0x106: {  	_ =	strace $0x90000047  }
0x107: {  	s0 =	stileid.u32;
	[bflag:$0x2] =	sbarrier.arrive $0xFFFF  }
0x108: {  	p0 =	sne.s32 s0, $0x0;
	s0 =	rddreg [dreg:$0x6]  }
0x109: {  	s0 =	sadd.s32 @!p0 $0x100000, s0  }
0x10a: {  	[sflag:s0] =	ssyncadd.tile.s32 @!p0 $0x1;
	_ =	shalt  }
.Lfunc_end2:
_tile_overlayer_lowered:
.L_overlay_start_2:
0x10b: {  	(tag) =	ssettag $0x2  }
0x10c: {  	s0 =	rddreg [dreg:$0x0];
	s2 =	stileid.u32  }
0x10d: {  	s1 =	rddreg [dreg:$0x1];
	p0 =	sne.s32 s2, $0x0  }
0x10e: {  	s3 =	rddreg [dreg:$0x2];
	[bflag:$0x3] =	sbarrier.arrive $0xFFFF;
	s2 =	simm.s32 @!p0 $0x1C04  }
0x10f: {  	[timem:s3], [sflag:s2] =	dma.local @!p0 [hbm:s0], s1  }
0x110: {  	s0 =	simm.s32 @!p0 $0x4  }
0x111: {  	_ =	swait.ge @!p0 [sflag:s0], s1  }
0x112: {  	s1 =	ssub.s32 @!p0 $0x0, s1;
	[sflag:s0] =	ssyncset.done @!p0 $0x0  }
0x113: {  	[sflag:s0] =	ssyncadd.s32 @!p0 s1  }
0x114: {  	[bflag:$0x3] =	sbarrier.arrive $0xFFFF  }
0x115: {  	_ =	shalt  }

</sc_bundles>
